<compile_context>
chip_gen: v7x
topology: tpu7x:2x2x1
jax: 0.10.2.dev20260603
libtpu: 0.0.44.dev20260713+nightly
codegen_flags: <defaults>
</compile_context>

<pallas_src>
import functools

import jax
import jax.numpy as jnp
from jax import lax
from jax.experimental import pallas as pl
from jax.experimental.pallas import tpu as pltpu
from jax.experimental.pallas import tpu_sc as plsc

N_NODES = 10000
D = 128
NC = 2
NS = 16
NW = NC * NS
CK = 128
SB = 6
NSB = 13
NCH = NSB * SB
ESB = SB * CK
EPW = NCH * CK
NREM = 4
ACC_ROWS = 10240
ROWS_PER_TILE = ACC_ROWS // NS


def _sc_message_passing(feat_hbm, edge_hbm, part_hbm,
                        eidx_sb, rows0, rows1, acc, g0, g1, i_sem):
    c = lax.axis_index("c")
    s = lax.axis_index("s")
    w = s * NC + c
    ebase = w * EPW

    pltpu.async_copy(edge_hbm.at[:, pl.ds(ebase, ESB)], eidx_sb.at[0], i_sem)

    def _zero_row(i, carry):
        rows0[i >> 3, pl.ds((i & 7) * 16, 16)] = jnp.zeros((16,), jnp.float32)
        return carry
    lax.fori_loop(0, 128 * 8, _zero_row, 0)
    zbase = s * ROWS_PER_TILE
    for k in range(ROWS_PER_TILE // 128):
        pltpu.sync_copy(rows0, acc.at[pl.ds(zbase + k * 128, 128)])
    plsc.subcore_barrier()

    pltpu.make_async_copy(edge_hbm.at[:, pl.ds(ebase, ESB)],
                          eidx_sb.at[0], i_sem).wait()
    pltpu.async_copy(feat_hbm.at[eidx_sb.at[0, 0, pl.ds(0, CK)]], rows0, g0)
    pltpu.async_copy(feat_hbm.at[eidx_sb.at[0, 0, pl.ds(CK, CK)]], rows1, g1)

    rows = (rows0, rows1)
    gsem = (g0, g1)

    def _super_block(sbi, carry):
        slot = sbi & 1
        nslot = 1 - slot
        last = sbi == NSB - 1
        nb = ebase + (sbi + 1) * ESB
        @pl.when(jnp.logical_not(last))
        def _():
            pltpu.async_copy(edge_hbm.at[:, pl.ds(nb, ESB)],
                             eidx_sb.at[nslot], i_sem)
        for k in range(SB):
            if k == SB - 2:
                @pl.when(jnp.logical_not(last))
                def _():
                    pltpu.make_async_copy(edge_hbm.at[:, pl.ds(nb, ESB)],
                                          eidx_sb.at[nslot], i_sem).wait()
            p = k & 1
            pltpu.make_async_copy(
                feat_hbm.at[eidx_sb.at[slot, 0, pl.ds(k * CK, CK)]],
                rows[p], gsem[p]).wait()
            pltpu.sync_copy(
                rows[p], acc.at[eidx_sb.at[slot, 1, pl.ds(k * CK, CK)]],
                add=True)
            if k < SB - 2:
                pltpu.async_copy(
                    feat_hbm.at[eidx_sb.at[slot, 0, pl.ds((k + 2) * CK, CK)]],
                    rows[p], gsem[p])
            else:
                @pl.when(jnp.logical_not(last))
                def _():
                    pltpu.async_copy(
                        feat_hbm.at[eidx_sb.at[nslot, 0,
                                               pl.ds((k + 2 - SB) * CK, CK)]],
                        rows[p], gsem[p])
        return carry
    lax.fori_loop(0, NSB, _super_block, 0)

    @pl.when(w < NREM)
    def _():
        rem = (NW * NCH + w) * CK
        pltpu.sync_copy(edge_hbm.at[:, pl.ds(rem, CK)],
                        eidx_sb.at[0, :, pl.ds(0, CK)])
        pltpu.async_copy(feat_hbm.at[eidx_sb.at[0, 0, pl.ds(0, CK)]],
                         rows0, g0)
        pltpu.make_async_copy(feat_hbm.at[eidx_sb.at[0, 0, pl.ds(0, CK)]],
                              rows0, g0).wait()
        pltpu.sync_copy(rows0, acc.at[eidx_sb.at[0, 1, pl.ds(0, CK)]],
                        add=True)

    plsc.subcore_barrier()
    pltpu.sync_copy(acc.at[pl.ds(zbase, ROWS_PER_TILE)],
                    part_hbm.at[c, pl.ds(zbase, ROWS_PER_TILE)])


@functools.partial(
    pl.kernel,
    out_type=jax.ShapeDtypeStruct((NC, ACC_ROWS, D), jnp.float32),
    mesh=plsc.VectorSubcoreMesh(core_axis_name="c", subcore_axis_name="s",
                                num_cores=NC, num_subcores=NS),
    scratch_types=[
        pltpu.VMEM((2, 2, ESB), jnp.int32),
        pltpu.VMEM((CK, D), jnp.float32),
        pltpu.VMEM((CK, D), jnp.float32),
        pltpu.VMEM_SHARED((ACC_ROWS, D), jnp.float32),
        pltpu.SemaphoreType.DMA,
        pltpu.SemaphoreType.DMA,
        pltpu.SemaphoreType.DMA,
    ],
)
def _sc_kernel(feat_hbm, edge_hbm, part_hbm,
               eidx_sb, rows0, rows1, acc, g0, g1, i_sem):
    _sc_message_passing(feat_hbm, edge_hbm, part_hbm,
                        eidx_sb, rows0, rows1, acc, g0, g1, i_sem)


def _tc_linear_body(p_ref, w_ref, b_ref, o_ref):
    h = p_ref[0] + p_ref[1]
    o_ref[...] = lax.dot_general(
        h, w_ref[...], (((1,), (1,)), ((), ())),
        preferred_element_type=jnp.float32) + b_ref[...]


def _tc_linear(partials, W, b2):
    blk = 5000
    return pl.pallas_call(
        _tc_linear_body,
        grid=(N_NODES // blk,),
        in_specs=[
            pl.BlockSpec((NC, blk, D), lambda i: (0, i, 0)),
            pl.BlockSpec((D, D), lambda i: (0, 0)),
            pl.BlockSpec((1, D), lambda i: (0, 0)),
        ],
        out_specs=pl.BlockSpec((blk, D), lambda i: (i, 0)),
        out_shape=jax.ShapeDtypeStruct((N_NODES, D), jnp.float32),
    )(partials, W, b2)


def kernel(features, edge_index, W, b):
    partials = _sc_kernel(features, edge_index.astype(jnp.int32))
    return _tc_linear(partials, W, b.reshape(1, D))

# --- scband reference (transcript-rebuilt; emitter-appended) ---
"""Pipeline reference for scband-graph-conv-23003844838036 (READ-ONLY COPY).

The authoritative reference and input builder live on the scoring server;
editing this copy changes nothing except your own understanding.
"""

import jax, jax.numpy as jnp
import numpy as np

N_NODES = 10000
N_EDGES = 320000
D_IN = 128
D_OUT = 128


def setup_inputs(seed: int = 0) -> dict:
    key = jax.random.key(seed)
    k1, k2, k3, k4 = jax.random.split(key, 4)
    features = jax.random.normal(k1, (N_NODES, D_IN), dtype=jnp.float32)
    edge_index = jax.random.randint(k2, (2, N_EDGES), 0, N_NODES, dtype=jnp.int64)
    # nn.Linear(input_dim, output_dim) params
    W = jax.random.normal(k3, (D_OUT, D_IN), dtype=jnp.float32) * (1.0 / np.sqrt(D_IN))
    b = jax.random.normal(k4, (D_OUT,), dtype=jnp.float32) * 0.01
    return {"features": features, "edge_index": edge_index, "W": W, "b": b}


def reference(features, edge_index, W, b):
    # DGL update_all(copy_src('h_feat'), sum -> 'h_neigh'):
    # each edge copies the source node feature and sums into the destination node.
    src = edge_index[0]
    dst = edge_index[1]
    msgs = jnp.take(features, src, axis=0)                      # gather [E, d_in]
    h_neigh = jnp.zeros((N_NODES, D_IN), dtype=features.dtype).at[dst].add(msgs)  # scatter-add
    # output_linear
    out = h_neigh @ W.T + b
    return out

if __name__ == "__main__":
    import jax
    _d = setup_inputs()
    print(jax.jit(kernel)(*tuple(_d.values())))

</pallas_src>

<mosaic_0001>
#map = affine_map<(d0, d1) -> (0, 0)>
#map1 = affine_map<(d0, d1) -> (0, 0, 0)>
module attributes {stable_mosaic.version = 14 : i64} {
  func.func @_sc_kernel(%arg0: i32, %arg1: i32, %arg2: memref<10000x128xf32, #tpu.memory_space<hbm>>, %arg3: memref<2x320000xi32, #tpu.memory_space<hbm>>, %arg4: memref<2x10240x128xf32, #tpu.memory_space<hbm>>, %arg5: memref<2x2x768xi32, #tpu.memory_space<vmem>>, %arg6: memref<128x128xf32, #tpu.memory_space<vmem>>, %arg7: memref<128x128xf32, #tpu.memory_space<vmem>>, %arg8: memref<10240x128xf32, #tpu.memory_space<vmem_shared>>, %arg9: memref<!tpu.dma_semaphore, #tpu.memory_space<semaphore_mem>>, %arg10: memref<!tpu.dma_semaphore, #tpu.memory_space<semaphore_mem>>, %arg11: memref<!tpu.dma_semaphore, #tpu.memory_space<semaphore_mem>>) attributes {dimension_semantics = [#tpu.dimension_semantics<core_parallel>, #tpu.dimension_semantics<subcore_parallel>], iteration_bounds = array<i64: 2, 16>, scalar_prefetch = 0 : i64, scratch_operands = 7 : i64, tpu.core_type = #tpu.core_type<sc_vector_subcore>, window_params = [{transform_indices = #map}, {transform_indices = #map}, {transform_indices = #map1}]} {
    %mul3A = arith.constant 2 : i32
    %mul3A_0 = arith.muli %arg1, %mul3A : i32
    %add3A = arith.addi %mul3A_0, %arg0 : i32
    %mul3A_1 = arith.constant 9984 : i32
    %mul3A_2 = arith.muli %add3A, %mul3A_1 : i32
    %dma_start3A = arith.constant 0 : i32
    %dma_start3A_3 = arith.constant 0 : i32
    %dma_start3A_4 = arith.constant 0 : i32
    %dma_start3A_5 = tpu.memref_slice %arg5[%dma_start3A, %dma_start3A_3, %dma_start3A_4] : memref<2x2x768xi32, #tpu.memory_space<vmem>> -> memref<1x2x768xi32, #tpu.memory_space<vmem>>
    %dma_start3A_6 = tpu.memref_squeeze %dma_start3A_5 : memref<1x2x768xi32, #tpu.memory_space<vmem>> -> memref<2x768xi32, #tpu.memory_space<vmem>>
    %dma_start3A_7 = arith.constant 0 : i32
    %dma_start3A_8 = tpu.memref_slice %arg3[%dma_start3A_7, %mul3A_2] : memref<2x320000xi32, #tpu.memory_space<hbm>> -> memref<2x768xi32, #tpu.memory_space<hbm>>
    %dma_start3A_9 = arith.constant 0 : i32
    %dma_start3A_10 = arith.constant 0 : i32
    %dma_start3A_11 = tpu.memref_slice %arg5[%dma_start3A, %dma_start3A_9, %dma_start3A_10] : memref<2x2x768xi32, #tpu.memory_space<vmem>> -> memref<1x2x768xi32, #tpu.memory_space<vmem>>
    %dma_start3A_12 = tpu.memref_squeeze %dma_start3A_11 : memref<1x2x768xi32, #tpu.memory_space<vmem>> -> memref<2x768xi32, #tpu.memory_space<vmem>>
    %dma_start3A_13 = arith.constant 0 : i32
    %dma_start3A_14 = tpu.memref_slice %arg3[%dma_start3A_13, %mul3A_2] : memref<2x320000xi32, #tpu.memory_space<hbm>> -> memref<2x768xi32, #tpu.memory_space<hbm>>
    tpu.enqueue_dma source(%dma_start3A_14 : memref<2x768xi32, #tpu.memory_space<hbm>>) target(%dma_start3A_12 : memref<2x768xi32, #tpu.memory_space<vmem>>) target_semaphore(%arg11 : memref<!tpu.dma_semaphore, #tpu.memory_space<semaphore_mem>>)
    %scan3A = arith.constant 0 : i32
    %scan3A_15 = arith.constant 0 : i32
    %scan3A_16 = arith.constant 1024 : i32
    %scan3A_17 = arith.addi %scan3A_15, %scan3A_16 : i32
    %scan3A_18 = arith.constant 1 : i32
    scf.for %scan3A_69 = %scan3A_15 to %scan3A_17 step %scan3A_18  : i32 {
      %broadcast_in_dim3A = arith.constant 0.000000e+00 : f32
      %broadcast_in_dim3A_70 = vector.broadcast %broadcast_in_dim3A : f32 to vector<16xf32>
      %shift_right_arithmetic3A = arith.constant 3 : i32
      %shift_right_arithmetic3A_71 = arith.shrsi %scan3A_69, %shift_right_arithmetic3A : i32
      %and3A = arith.constant 7 : i32
      %and3A_72 = arith.andi %scan3A_69, %and3A : i32
      %mul3A_73 = arith.constant 16 : i32
      %mul3A_74 = arith.muli %and3A_72, %mul3A_73 : i32
      %swap3A = arith.index_cast %shift_right_arithmetic3A_71 : i32 to index
      %swap3A_75 = arith.index_cast %mul3A_74 : i32 to index
      %swap3A_76 = tpu.vector_load %arg6[%swap3A, %swap3A_75] {strides = array<i32>} : memref<128x128xf32, #tpu.memory_space<vmem>>, vector<1x16xf32>,
      %swap3A_77 = vector.shape_cast %swap3A_76 : vector<1x16xf32> to vector<16xf32>
      %swap3A_78 = vector.shape_cast %broadcast_in_dim3A_70 : vector<16xf32> to vector<1x16xf32>
      tpu.vector_store %arg6[%swap3A, %swap3A_75], %swap3A_78 {strides = array<i32>} : memref<128x128xf32, #tpu.memory_space<vmem>>, vector<1x16xf32>,
    }
    %scan3A_19 = arith.constant 1024 : i32
    %mul3A_20 = arith.constant 640 : i32
    %mul3A_21 = arith.muli %arg1, %mul3A_20 : i32
    %add3A_22 = arith.constant 0 : i32
    %add3A_23 = arith.addi %mul3A_21, %add3A_22 : i32
    "tpu.region"() ({
      %run_scoped3A = tpu.sem_alloc : memref<!tpu.dma_semaphore, #tpu.memory_space<semaphore_mem>>
      %dma_start3A_69 = arith.constant 0 : i32
      %dma_start3A_70 = tpu.memref_slice %arg8[%add3A_23, %dma_start3A_69] : memref<10240x128xf32, #tpu.memory_space<vmem_shared>> -> memref<128x128xf32, #tpu.memory_space<vmem_shared>>
      %dma_start3A_71 = arith.constant 0 : i32
      %dma_start3A_72 = tpu.memref_slice %arg8[%add3A_23, %dma_start3A_71] : memref<10240x128xf32, #tpu.memory_space<vmem_shared>> -> memref<128x128xf32, #tpu.memory_space<vmem_shared>>
      tpu.enqueue_dma source(%arg6 : memref<128x128xf32, #tpu.memory_space<vmem>>) target(%dma_start3A_72 : memref<128x128xf32, #tpu.memory_space<vmem_shared>>) target_semaphore(%run_scoped3A : memref<!tpu.dma_semaphore, #tpu.memory_space<semaphore_mem>>)
      %dma_wait3A_73 = arith.constant 0 : i32
      %dma_wait3A_74 = tpu.memref_slice %arg8[%add3A_23, %dma_wait3A_73] : memref<10240x128xf32, #tpu.memory_space<vmem_shared>> -> memref<128x128xf32, #tpu.memory_space<vmem_shared>>
      %dma_wait3A_75 = arith.constant 0 : i32
      %dma_wait3A_76 = tpu.memref_slice %arg8[%add3A_23, %dma_wait3A_75] : memref<10240x128xf32, #tpu.memory_space<vmem_shared>> -> memref<128x128xf32, #tpu.memory_space<vmem_shared>>
      tpu.wait_dma2 semaphore(%run_scoped3A : memref<!tpu.dma_semaphore, #tpu.memory_space<semaphore_mem>>) src(%arg6 : memref<128x128xf32, #tpu.memory_space<vmem>>) dst(%dma_wait3A_76 : memref<128x128xf32, #tpu.memory_space<vmem_shared>>)
      tpu.yield
    }) : () -> ()
    %add3A_24 = arith.constant 128 : i32
    %add3A_25 = arith.addi %mul3A_21, %add3A_24 : i32
    "tpu.region"() ({
      %run_scoped3A = tpu.sem_alloc : memref<!tpu.dma_semaphore, #tpu.memory_space<semaphore_mem>>
      %dma_start3A_69 = arith.constant 0 : i32
      %dma_start3A_70 = tpu.memref_slice %arg8[%add3A_25, %dma_start3A_69] : memref<10240x128xf32, #tpu.memory_space<vmem_shared>> -> memref<128x128xf32, #tpu.memory_space<vmem_shared>>
      %dma_start3A_71 = arith.constant 0 : i32
      %dma_start3A_72 = tpu.memref_slice %arg8[%add3A_25, %dma_start3A_71] : memref<10240x128xf32, #tpu.memory_space<vmem_shared>> -> memref<128x128xf32, #tpu.memory_space<vmem_shared>>
      tpu.enqueue_dma source(%arg6 : memref<128x128xf32, #tpu.memory_space<vmem>>) target(%dma_start3A_72 : memref<128x128xf32, #tpu.memory_space<vmem_shared>>) target_semaphore(%run_scoped3A : memref<!tpu.dma_semaphore, #tpu.memory_space<semaphore_mem>>)
      %dma_wait3A_73 = arith.constant 0 : i32
      %dma_wait3A_74 = tpu.memref_slice %arg8[%add3A_25, %dma_wait3A_73] : memref<10240x128xf32, #tpu.memory_space<vmem_shared>> -> memref<128x128xf32, #tpu.memory_space<vmem_shared>>
      %dma_wait3A_75 = arith.constant 0 : i32
      %dma_wait3A_76 = tpu.memref_slice %arg8[%add3A_25, %dma_wait3A_75] : memref<10240x128xf32, #tpu.memory_space<vmem_shared>> -> memref<128x128xf32, #tpu.memory_space<vmem_shared>>
      tpu.wait_dma2 semaphore(%run_scoped3A : memref<!tpu.dma_semaphore, #tpu.memory_space<semaphore_mem>>) src(%arg6 : memref<128x128xf32, #tpu.memory_space<vmem>>) dst(%dma_wait3A_76 : memref<128x128xf32, #tpu.memory_space<vmem_shared>>)
      tpu.yield
    }) : () -> ()
    %add3A_26 = arith.constant 256 : i32
    %add3A_27 = arith.addi %mul3A_21, %add3A_26 : i32
    "tpu.region"() ({
      %run_scoped3A = tpu.sem_alloc : memref<!tpu.dma_semaphore, #tpu.memory_space<semaphore_mem>>
      %dma_start3A_69 = arith.constant 0 : i32
      %dma_start3A_70 = tpu.memref_slice %arg8[%add3A_27, %dma_start3A_69] : memref<10240x128xf32, #tpu.memory_space<vmem_shared>> -> memref<128x128xf32, #tpu.memory_space<vmem_shared>>
      %dma_start3A_71 = arith.constant 0 : i32
      %dma_start3A_72 = tpu.memref_slice %arg8[%add3A_27, %dma_start3A_71] : memref<10240x128xf32, #tpu.memory_space<vmem_shared>> -> memref<128x128xf32, #tpu.memory_space<vmem_shared>>
      tpu.enqueue_dma source(%arg6 : memref<128x128xf32, #tpu.memory_space<vmem>>) target(%dma_start3A_72 : memref<128x128xf32, #tpu.memory_space<vmem_shared>>) target_semaphore(%run_scoped3A : memref<!tpu.dma_semaphore, #tpu.memory_space<semaphore_mem>>)
      %dma_wait3A_73 = arith.constant 0 : i32
      %dma_wait3A_74 = tpu.memref_slice %arg8[%add3A_27, %dma_wait3A_73] : memref<10240x128xf32, #tpu.memory_space<vmem_shared>> -> memref<128x128xf32, #tpu.memory_space<vmem_shared>>
      %dma_wait3A_75 = arith.constant 0 : i32
      %dma_wait3A_76 = tpu.memref_slice %arg8[%add3A_27, %dma_wait3A_75] : memref<10240x128xf32, #tpu.memory_space<vmem_shared>> -> memref<128x128xf32, #tpu.memory_space<vmem_shared>>
      tpu.wait_dma2 semaphore(%run_scoped3A : memref<!tpu.dma_semaphore, #tpu.memory_space<semaphore_mem>>) src(%arg6 : memref<128x128xf32, #tpu.memory_space<vmem>>) dst(%dma_wait3A_76 : memref<128x128xf32, #tpu.memory_space<vmem_shared>>)
      tpu.yield
    }) : () -> ()
    %add3A_28 = arith.constant 384 : i32
    %add3A_29 = arith.addi %mul3A_21, %add3A_28 : i32
    "tpu.region"() ({
      %run_scoped3A = tpu.sem_alloc : memref<!tpu.dma_semaphore, #tpu.memory_space<semaphore_mem>>
      %dma_start3A_69 = arith.constant 0 : i32
      %dma_start3A_70 = tpu.memref_slice %arg8[%add3A_29, %dma_start3A_69] : memref<10240x128xf32, #tpu.memory_space<vmem_shared>> -> memref<128x128xf32, #tpu.memory_space<vmem_shared>>
      %dma_start3A_71 = arith.constant 0 : i32
      %dma_start3A_72 = tpu.memref_slice %arg8[%add3A_29, %dma_start3A_71] : memref<10240x128xf32, #tpu.memory_space<vmem_shared>> -> memref<128x128xf32, #tpu.memory_space<vmem_shared>>
      tpu.enqueue_dma source(%arg6 : memref<128x128xf32, #tpu.memory_space<vmem>>) target(%dma_start3A_72 : memref<128x128xf32, #tpu.memory_space<vmem_shared>>) target_semaphore(%run_scoped3A : memref<!tpu.dma_semaphore, #tpu.memory_space<semaphore_mem>>)
      %dma_wait3A_73 = arith.constant 0 : i32
      %dma_wait3A_74 = tpu.memref_slice %arg8[%add3A_29, %dma_wait3A_73] : memref<10240x128xf32, #tpu.memory_space<vmem_shared>> -> memref<128x128xf32, #tpu.memory_space<vmem_shared>>
      %dma_wait3A_75 = arith.constant 0 : i32
      %dma_wait3A_76 = tpu.memref_slice %arg8[%add3A_29, %dma_wait3A_75] : memref<10240x128xf32, #tpu.memory_space<vmem_shared>> -> memref<128x128xf32, #tpu.memory_space<vmem_shared>>
      tpu.wait_dma2 semaphore(%run_scoped3A : memref<!tpu.dma_semaphore, #tpu.memory_space<semaphore_mem>>) src(%arg6 : memref<128x128xf32, #tpu.memory_space<vmem>>) dst(%dma_wait3A_76 : memref<128x128xf32, #tpu.memory_space<vmem_shared>>)
      tpu.yield
    }) : () -> ()
    %add3A_30 = arith.constant 512 : i32
    %add3A_31 = arith.addi %mul3A_21, %add3A_30 : i32
    "tpu.region"() ({
      %run_scoped3A = tpu.sem_alloc : memref<!tpu.dma_semaphore, #tpu.memory_space<semaphore_mem>>
      %dma_start3A_69 = arith.constant 0 : i32
      %dma_start3A_70 = tpu.memref_slice %arg8[%add3A_31, %dma_start3A_69] : memref<10240x128xf32, #tpu.memory_space<vmem_shared>> -> memref<128x128xf32, #tpu.memory_space<vmem_shared>>
      %dma_start3A_71 = arith.constant 0 : i32
      %dma_start3A_72 = tpu.memref_slice %arg8[%add3A_31, %dma_start3A_71] : memref<10240x128xf32, #tpu.memory_space<vmem_shared>> -> memref<128x128xf32, #tpu.memory_space<vmem_shared>>
      tpu.enqueue_dma source(%arg6 : memref<128x128xf32, #tpu.memory_space<vmem>>) target(%dma_start3A_72 : memref<128x128xf32, #tpu.memory_space<vmem_shared>>) target_semaphore(%run_scoped3A : memref<!tpu.dma_semaphore, #tpu.memory_space<semaphore_mem>>)
      %dma_wait3A_73 = arith.constant 0 : i32
      %dma_wait3A_74 = tpu.memref_slice %arg8[%add3A_31, %dma_wait3A_73] : memref<10240x128xf32, #tpu.memory_space<vmem_shared>> -> memref<128x128xf32, #tpu.memory_space<vmem_shared>>
      %dma_wait3A_75 = arith.constant 0 : i32
      %dma_wait3A_76 = tpu.memref_slice %arg8[%add3A_31, %dma_wait3A_75] : memref<10240x128xf32, #tpu.memory_space<vmem_shared>> -> memref<128x128xf32, #tpu.memory_space<vmem_shared>>
      tpu.wait_dma2 semaphore(%run_scoped3A : memref<!tpu.dma_semaphore, #tpu.memory_space<semaphore_mem>>) src(%arg6 : memref<128x128xf32, #tpu.memory_space<vmem>>) dst(%dma_wait3A_76 : memref<128x128xf32, #tpu.memory_space<vmem_shared>>)
      tpu.yield
    }) : () -> ()
    %barrier3A = arith.constant 0 : index
    tpu.barrier barrier_id(%barrier3A)
    %dma_wait3A = arith.constant 0 : i32
    %dma_wait3A_32 = arith.constant 0 : i32
    %dma_wait3A_33 = arith.constant 0 : i32
    %dma_wait3A_34 = tpu.memref_slice %arg5[%dma_wait3A, %dma_wait3A_32, %dma_wait3A_33] : memref<2x2x768xi32, #tpu.memory_space<vmem>> -> memref<1x2x768xi32, #tpu.memory_space<vmem>>
    %dma_wait3A_35 = tpu.memref_squeeze %dma_wait3A_34 : memref<1x2x768xi32, #tpu.memory_space<vmem>> -> memref<2x768xi32, #tpu.memory_space<vmem>>
    %dma_wait3A_36 = arith.constant 0 : i32
    %dma_wait3A_37 = tpu.memref_slice %arg3[%dma_wait3A_36, %mul3A_2] : memref<2x320000xi32, #tpu.memory_space<hbm>> -> memref<2x768xi32, #tpu.memory_space<hbm>>
    %dma_wait3A_38 = arith.constant 0 : i32
    %dma_wait3A_39 = arith.constant 0 : i32
    %dma_wait3A_40 = tpu.memref_slice %arg5[%dma_wait3A, %dma_wait3A_38, %dma_wait3A_39] : memref<2x2x768xi32, #tpu.memory_space<vmem>> -> memref<1x2x768xi32, #tpu.memory_space<vmem>>
    %dma_wait3A_41 = tpu.memref_squeeze %dma_wait3A_40 : memref<1x2x768xi32, #tpu.memory_space<vmem>> -> memref<2x768xi32, #tpu.memory_space<vmem>>
    %dma_wait3A_42 = arith.constant 0 : i32
    %dma_wait3A_43 = tpu.memref_slice %arg3[%dma_wait3A_42, %mul3A_2] : memref<2x320000xi32, #tpu.memory_space<hbm>> -> memref<2x768xi32, #tpu.memory_space<hbm>>
    tpu.wait_dma2 semaphore(%arg11 : memref<!tpu.dma_semaphore, #tpu.memory_space<semaphore_mem>>) src(%dma_wait3A_43 : memref<2x768xi32, #tpu.memory_space<hbm>>) dst(%dma_wait3A_41 : memref<2x768xi32, #tpu.memory_space<vmem>>)
    %dma_start3A_44 = arith.constant 0 : i32
    %dma_start3A_45 = arith.constant 0 : i32
    %dma_start3A_46 = arith.constant 0 : i32
    %dma_start3A_47 = tpu.memref_slice %arg5[%dma_start3A_44, %dma_start3A_45, %dma_start3A_46] : memref<2x2x768xi32, #tpu.memory_space<vmem>> -> memref<1x1x128xi32, #tpu.memory_space<vmem>>
    %dma_start3A_48 = tpu.memref_squeeze %dma_start3A_47 : memref<1x1x128xi32, #tpu.memory_space<vmem>> -> memref<128xi32, #tpu.memory_space<vmem>>
    %dma_start3A_49 = arith.constant 0 : i32
    %dma_start3A_50 = arith.constant 0 : i32
    %dma_start3A_51 = tpu.memref_slice %arg2[%dma_start3A_49, %dma_start3A_50] : memref<10000x128xf32, #tpu.memory_space<hbm>> -> memref<10000x128xf32, #tpu.memory_space<hbm>>
    tpu.enqueue_indirect_dma source(%dma_start3A_51 : memref<10000x128xf32, #tpu.memory_space<hbm>>) target(%arg6 : memref<128x128xf32, #tpu.memory_space<vmem>>) offsets(%dma_start3A_48 : memref<128xi32, #tpu.memory_space<vmem>>) semaphore(%arg9 : memref<!tpu.dma_semaphore, #tpu.memory_space<semaphore_mem>>)
    %dma_start3A_52 = arith.constant 0 : i32
    %dma_start3A_53 = arith.constant 0 : i32
    %dma_start3A_54 = arith.constant 128 : i32
    %dma_start3A_55 = tpu.memref_slice %arg5[%dma_start3A_52, %dma_start3A_53, %dma_start3A_54] : memref<2x2x768xi32, #tpu.memory_space<vmem>> -> memref<1x1x128xi32, #tpu.memory_space<vmem>>
    %dma_start3A_56 = tpu.memref_squeeze %dma_start3A_55 : memref<1x1x128xi32, #tpu.memory_space<vmem>> -> memref<128xi32, #tpu.memory_space<vmem>>
    %dma_start3A_57 = arith.constant 0 : i32
    %dma_start3A_58 = arith.constant 0 : i32
    %dma_start3A_59 = tpu.memref_slice %arg2[%dma_start3A_57, %dma_start3A_58] : memref<10000x128xf32, #tpu.memory_space<hbm>> -> memref<10000x128xf32, #tpu.memory_space<hbm>>
    tpu.enqueue_indirect_dma source(%dma_start3A_59 : memref<10000x128xf32, #tpu.memory_space<hbm>>) target(%arg7 : memref<128x128xf32, #tpu.memory_space<vmem>>) offsets(%dma_start3A_56 : memref<128xi32, #tpu.memory_space<vmem>>) semaphore(%arg10 : memref<!tpu.dma_semaphore, #tpu.memory_space<semaphore_mem>>)
    %scan3A_60 = arith.constant 0 : i32
    %scan3A_61 = arith.constant 0 : i32
    %scan3A_62 = arith.constant 13 : i32
    %scan3A_63 = arith.addi %scan3A_61, %scan3A_62 : i32
    %scan3A_64 = arith.constant 1 : i32
    scf.for %scan3A_69 = %scan3A_61 to %scan3A_63 step %scan3A_64  : i32 {
      %and3A = arith.constant 1 : i32
      %and3A_70 = arith.andi %scan3A_69, %and3A : i32
      %sub3A = arith.constant 1 : i32
      %sub3A_71 = arith.subi %sub3A, %and3A_70 : i32
      %eq3A = arith.constant 12 : i32
      %eq3A_72 = arith.cmpi eq, %scan3A_69, %eq3A : i32
      %add3A_73 = arith.constant 1 : i32
      %add3A_74 = arith.addi %scan3A_69, %add3A_73 : i32
      %mul3A_75 = arith.constant 768 : i32
      %mul3A_76 = arith.muli %add3A_74, %mul3A_75 : i32
      %add3A_77 = arith.addi %mul3A_2, %mul3A_76 : i32
      %not3A = arith.constant true
      %not3A_78 = arith.xori %eq3A_72, %not3A : i1
      %convert_element_type3A_79 = arith.extui %not3A_78 : i1 to i32
      %cond3A_80 = arith.constant 0 : i32
      %cond3A_81 = arith.cmpi ne, %convert_element_type3A_79, %cond3A_80 : i32
      scf.if %cond3A_81 {
        %dma_start3A_172 = arith.constant 0 : i32
        %dma_start3A_173 = arith.constant 0 : i32
        %dma_start3A_174 = tpu.memref_slice %arg5[%sub3A_71, %dma_start3A_172, %dma_start3A_173] : memref<2x2x768xi32, #tpu.memory_space<vmem>> -> memref<1x2x768xi32, #tpu.memory_space<vmem>>
        %dma_start3A_175 = tpu.memref_squeeze %dma_start3A_174 : memref<1x2x768xi32, #tpu.memory_space<vmem>> -> memref<2x768xi32, #tpu.memory_space<vmem>>
        %dma_start3A_176 = arith.constant 0 : i32
        %dma_start3A_177 = tpu.memref_slice %arg3[%dma_start3A_176, %add3A_77] : memref<2x320000xi32, #tpu.memory_space<hbm>> -> memref<2x768xi32, #tpu.memory_space<hbm>>
        %dma_start3A_178 = arith.constant 0 : i32
        %dma_start3A_179 = arith.constant 0 : i32
        %dma_start3A_180 = tpu.memref_slice %arg5[%sub3A_71, %dma_start3A_178, %dma_start3A_179] : memref<2x2x768xi32, #tpu.memory_space<vmem>> -> memref<1x2x768xi32, #tpu.memory_space<vmem>>
        %dma_start3A_181 = tpu.memref_squeeze %dma_start3A_180 : memref<1x2x768xi32, #tpu.memory_space<vmem>> -> memref<2x768xi32, #tpu.memory_space<vmem>>
        %dma_start3A_182 = arith.constant 0 : i32
        %dma_start3A_183 = tpu.memref_slice %arg3[%dma_start3A_182, %add3A_77] : memref<2x320000xi32, #tpu.memory_space<hbm>> -> memref<2x768xi32, #tpu.memory_space<hbm>>
        tpu.enqueue_dma source(%dma_start3A_183 : memref<2x768xi32, #tpu.memory_space<hbm>>) target(%dma_start3A_181 : memref<2x768xi32, #tpu.memory_space<vmem>>) target_semaphore(%arg11 : memref<!tpu.dma_semaphore, #tpu.memory_space<semaphore_mem>>)
      } else {
      }
      %dma_wait3A_82 = arith.constant 0 : i32
      %dma_wait3A_83 = arith.constant 0 : i32
      %dma_wait3A_84 = tpu.memref_slice %arg5[%and3A_70, %dma_wait3A_82, %dma_wait3A_83] : memref<2x2x768xi32, #tpu.memory_space<vmem>> -> memref<1x1x128xi32, #tpu.memory_space<vmem>>
      %dma_wait3A_85 = tpu.memref_squeeze %dma_wait3A_84 : memref<1x1x128xi32, #tpu.memory_space<vmem>> -> memref<128xi32, #tpu.memory_space<vmem>>
      %dma_wait3A_86 = arith.constant 0 : i32
      %dma_wait3A_87 = arith.constant 0 : i32
      %dma_wait3A_88 = tpu.memref_slice %arg2[%dma_wait3A_86, %dma_wait3A_87] : memref<10000x128xf32, #tpu.memory_space<hbm>> -> memref<10000x128xf32, #tpu.memory_space<hbm>>
      tpu.wait_indirect_dma semaphore(%arg9 : memref<!tpu.dma_semaphore, #tpu.memory_space<semaphore_mem>>) src(%dma_wait3A_88 : memref<10000x128xf32, #tpu.memory_space<hbm>>) dst(%arg6 : memref<128x128xf32, #tpu.memory_space<vmem>>)
      %run_scoped3A = arith.constant 1 : i32
      "tpu.region"() ({
        %run_scoped3A_172 = tpu.sem_alloc : memref<!tpu.dma_semaphore, #tpu.memory_space<semaphore_mem>>
        %dma_start3A_173 = arith.constant 0 : i32
        %dma_start3A_174 = tpu.memref_slice %arg5[%and3A_70, %run_scoped3A, %dma_start3A_173] : memref<2x2x768xi32, #tpu.memory_space<vmem>> -> memref<1x1x128xi32, #tpu.memory_space<vmem>>
        %dma_start3A_175 = tpu.memref_squeeze %dma_start3A_174 : memref<1x1x128xi32, #tpu.memory_space<vmem>> -> memref<128xi32, #tpu.memory_space<vmem>>
        %dma_start3A_176 = arith.constant 0 : i32
        %dma_start3A_177 = arith.constant 0 : i32
        %dma_start3A_178 = tpu.memref_slice %arg8[%dma_start3A_176, %dma_start3A_177] : memref<10240x128xf32, #tpu.memory_space<vmem_shared>> -> memref<10240x128xf32, #tpu.memory_space<vmem_shared>>
        tpu.enqueue_indirect_dma source(%arg6 : memref<128x128xf32, #tpu.memory_space<vmem>>) target(%dma_start3A_178 : memref<10240x128xf32, #tpu.memory_space<vmem_shared>>) offsets(%dma_start3A_175 : memref<128xi32, #tpu.memory_space<vmem>>) semaphore(%run_scoped3A_172 : memref<!tpu.dma_semaphore, #tpu.memory_space<semaphore_mem>>) {add = true}
        %dma_wait3A_179 = arith.constant 0 : i32
        %dma_wait3A_180 = tpu.memref_slice %arg5[%and3A_70, %run_scoped3A, %dma_wait3A_179] : memref<2x2x768xi32, #tpu.memory_space<vmem>> -> memref<1x1x128xi32, #tpu.memory_space<vmem>>
        %dma_wait3A_181 = tpu.memref_squeeze %dma_wait3A_180 : memref<1x1x128xi32, #tpu.memory_space<vmem>> -> memref<128xi32, #tpu.memory_space<vmem>>
        %dma_wait3A_182 = arith.constant 0 : i32
        %dma_wait3A_183 = arith.constant 0 : i32
        %dma_wait3A_184 = tpu.memref_slice %arg8[%dma_wait3A_182, %dma_wait3A_183] : memref<10240x128xf32, #tpu.memory_space<vmem_shared>> -> memref<10240x128xf32, #tpu.memory_space<vmem_shared>>
        tpu.wait_indirect_dma semaphore(%run_scoped3A_172 : memref<!tpu.dma_semaphore, #tpu.memory_space<semaphore_mem>>) src(%arg6 : memref<128x128xf32, #tpu.memory_space<vmem>>) dst(%dma_wait3A_184 : memref<10240x128xf32, #tpu.memory_space<vmem_shared>>)
        tpu.yield
      }) : () -> ()
      %dma_start3A_89 = arith.constant 0 : i32
      %dma_start3A_90 = arith.constant 256 : i32
      %dma_start3A_91 = tpu.memref_slice %arg5[%and3A_70, %dma_start3A_89, %dma_start3A_90] : memref<2x2x768xi32, #tpu.memory_space<vmem>> -> memref<1x1x128xi32, #tpu.memory_space<vmem>>
      %dma_start3A_92 = tpu.memref_squeeze %dma_start3A_91 : memref<1x1x128xi32, #tpu.memory_space<vmem>> -> memref<128xi32, #tpu.memory_space<vmem>>
      %dma_start3A_93 = arith.constant 0 : i32
      %dma_start3A_94 = arith.constant 0 : i32
      %dma_start3A_95 = tpu.memref_slice %arg2[%dma_start3A_93, %dma_start3A_94] : memref<10000x128xf32, #tpu.memory_space<hbm>> -> memref<10000x128xf32, #tpu.memory_space<hbm>>
      tpu.enqueue_indirect_dma source(%dma_start3A_95 : memref<10000x128xf32, #tpu.memory_space<hbm>>) target(%arg6 : memref<128x128xf32, #tpu.memory_space<vmem>>) offsets(%dma_start3A_92 : memref<128xi32, #tpu.memory_space<vmem>>) semaphore(%arg9 : memref<!tpu.dma_semaphore, #tpu.memory_space<semaphore_mem>>)
      %dma_wait3A_96 = arith.constant 0 : i32
      %dma_wait3A_97 = arith.constant 128 : i32
      %dma_wait3A_98 = tpu.memref_slice %arg5[%and3A_70, %dma_wait3A_96, %dma_wait3A_97] : memref<2x2x768xi32, #tpu.memory_space<vmem>> -> memref<1x1x128xi32, #tpu.memory_space<vmem>>
      %dma_wait3A_99 = tpu.memref_squeeze %dma_wait3A_98 : memref<1x1x128xi32, #tpu.memory_space<vmem>> -> memref<128xi32, #tpu.memory_space<vmem>>
      %dma_wait3A_100 = arith.constant 0 : i32
      %dma_wait3A_101 = arith.constant 0 : i32
      %dma_wait3A_102 = tpu.memref_slice %arg2[%dma_wait3A_100, %dma_wait3A_101] : memref<10000x128xf32, #tpu.memory_space<hbm>> -> memref<10000x128xf32, #tpu.memory_space<hbm>>
      tpu.wait_indirect_dma semaphore(%arg10 : memref<!tpu.dma_semaphore, #tpu.memory_space<semaphore_mem>>) src(%dma_wait3A_102 : memref<10000x128xf32, #tpu.memory_space<hbm>>) dst(%arg7 : memref<128x128xf32, #tpu.memory_space<vmem>>)
      %run_scoped3A_103 = arith.constant 1 : i32
      "tpu.region"() ({
        %run_scoped3A_172 = tpu.sem_alloc : memref<!tpu.dma_semaphore, #tpu.memory_space<semaphore_mem>>
        %dma_start3A_173 = arith.constant 128 : i32
        %dma_start3A_174 = tpu.memref_slice %arg5[%and3A_70, %run_scoped3A_103, %dma_start3A_173] : memref<2x2x768xi32, #tpu.memory_space<vmem>> -> memref<1x1x128xi32, #tpu.memory_space<vmem>>
        %dma_start3A_175 = tpu.memref_squeeze %dma_start3A_174 : memref<1x1x128xi32, #tpu.memory_space<vmem>> -> memref<128xi32, #tpu.memory_space<vmem>>
        %dma_start3A_176 = arith.constant 0 : i32
        %dma_start3A_177 = arith.constant 0 : i32
        %dma_start3A_178 = tpu.memref_slice %arg8[%dma_start3A_176, %dma_start3A_177] : memref<10240x128xf32, #tpu.memory_space<vmem_shared>> -> memref<10240x128xf32, #tpu.memory_space<vmem_shared>>
        tpu.enqueue_indirect_dma source(%arg7 : memref<128x128xf32, #tpu.memory_space<vmem>>) target(%dma_start3A_178 : memref<10240x128xf32, #tpu.memory_space<vmem_shared>>) offsets(%dma_start3A_175 : memref<128xi32, #tpu.memory_space<vmem>>) semaphore(%run_scoped3A_172 : memref<!tpu.dma_semaphore, #tpu.memory_space<semaphore_mem>>) {add = true}
        %dma_wait3A_179 = arith.constant 128 : i32
        %dma_wait3A_180 = tpu.memref_slice %arg5[%and3A_70, %run_scoped3A_103, %dma_wait3A_179] : memref<2x2x768xi32, #tpu.memory_space<vmem>> -> memref<1x1x128xi32, #tpu.memory_space<vmem>>
        %dma_wait3A_181 = tpu.memref_squeeze %dma_wait3A_180 : memref<1x1x128xi32, #tpu.memory_space<vmem>> -> memref<128xi32, #tpu.memory_space<vmem>>
        %dma_wait3A_182 = arith.constant 0 : i32
        %dma_wait3A_183 = arith.constant 0 : i32
        %dma_wait3A_184 = tpu.memref_slice %arg8[%dma_wait3A_182, %dma_wait3A_183] : memref<10240x128xf32, #tpu.memory_space<vmem_shared>> -> memref<10240x128xf32, #tpu.memory_space<vmem_shared>>
        tpu.wait_indirect_dma semaphore(%run_scoped3A_172 : memref<!tpu.dma_semaphore, #tpu.memory_space<semaphore_mem>>) src(%arg7 : memref<128x128xf32, #tpu.memory_space<vmem>>) dst(%dma_wait3A_184 : memref<10240x128xf32, #tpu.memory_space<vmem_shared>>)
        tpu.yield
      }) : () -> ()
      %dma_start3A_104 = arith.constant 0 : i32
      %dma_start3A_105 = arith.constant 384 : i32
      %dma_start3A_106 = tpu.memref_slice %arg5[%and3A_70, %dma_start3A_104, %dma_start3A_105] : memref<2x2x768xi32, #tpu.memory_space<vmem>> -> memref<1x1x128xi32, #tpu.memory_space<vmem>>
      %dma_start3A_107 = tpu.memref_squeeze %dma_start3A_106 : memref<1x1x128xi32, #tpu.memory_space<vmem>> -> memref<128xi32, #tpu.memory_space<vmem>>
      %dma_start3A_108 = arith.constant 0 : i32
      %dma_start3A_109 = arith.constant 0 : i32
      %dma_start3A_110 = tpu.memref_slice %arg2[%dma_start3A_108, %dma_start3A_109] : memref<10000x128xf32, #tpu.memory_space<hbm>> -> memref<10000x128xf32, #tpu.memory_space<hbm>>
      tpu.enqueue_indirect_dma source(%dma_start3A_110 : memref<10000x128xf32, #tpu.memory_space<hbm>>) target(%arg7 : memref<128x128xf32, #tpu.memory_space<vmem>>) offsets(%dma_start3A_107 : memref<128xi32, #tpu.memory_space<vmem>>) semaphore(%arg10 : memref<!tpu.dma_semaphore, #tpu.memory_space<semaphore_mem>>)
      %dma_wait3A_111 = arith.constant 0 : i32
      %dma_wait3A_112 = arith.constant 256 : i32
      %dma_wait3A_113 = tpu.memref_slice %arg5[%and3A_70, %dma_wait3A_111, %dma_wait3A_112] : memref<2x2x768xi32, #tpu.memory_space<vmem>> -> memref<1x1x128xi32, #tpu.memory_space<vmem>>
      %dma_wait3A_114 = tpu.memref_squeeze %dma_wait3A_113 : memref<1x1x128xi32, #tpu.memory_space<vmem>> -> memref<128xi32, #tpu.memory_space<vmem>>
      %dma_wait3A_115 = arith.constant 0 : i32
      %dma_wait3A_116 = arith.constant 0 : i32
      %dma_wait3A_117 = tpu.memref_slice %arg2[%dma_wait3A_115, %dma_wait3A_116] : memref<10000x128xf32, #tpu.memory_space<hbm>> -> memref<10000x128xf32, #tpu.memory_space<hbm>>
      tpu.wait_indirect_dma semaphore(%arg9 : memref<!tpu.dma_semaphore, #tpu.memory_space<semaphore_mem>>) src(%dma_wait3A_117 : memref<10000x128xf32, #tpu.memory_space<hbm>>) dst(%arg6 : memref<128x128xf32, #tpu.memory_space<vmem>>)
      %run_scoped3A_118 = arith.constant 1 : i32
      "tpu.region"() ({
        %run_scoped3A_172 = tpu.sem_alloc : memref<!tpu.dma_semaphore, #tpu.memory_space<semaphore_mem>>
        %dma_start3A_173 = arith.constant 256 : i32
        %dma_start3A_174 = tpu.memref_slice %arg5[%and3A_70, %run_scoped3A_118, %dma_start3A_173] : memref<2x2x768xi32, #tpu.memory_space<vmem>> -> memref<1x1x128xi32, #tpu.memory_space<vmem>>
        %dma_start3A_175 = tpu.memref_squeeze %dma_start3A_174 : memref<1x1x128xi32, #tpu.memory_space<vmem>> -> memref<128xi32, #tpu.memory_space<vmem>>
        %dma_start3A_176 = arith.constant 0 : i32
        %dma_start3A_177 = arith.constant 0 : i32
        %dma_start3A_178 = tpu.memref_slice %arg8[%dma_start3A_176, %dma_start3A_177] : memref<10240x128xf32, #tpu.memory_space<vmem_shared>> -> memref<10240x128xf32, #tpu.memory_space<vmem_shared>>
        tpu.enqueue_indirect_dma source(%arg6 : memref<128x128xf32, #tpu.memory_space<vmem>>) target(%dma_start3A_178 : memref<10240x128xf32, #tpu.memory_space<vmem_shared>>) offsets(%dma_start3A_175 : memref<128xi32, #tpu.memory_space<vmem>>) semaphore(%run_scoped3A_172 : memref<!tpu.dma_semaphore, #tpu.memory_space<semaphore_mem>>) {add = true}
        %dma_wait3A_179 = arith.constant 256 : i32
        %dma_wait3A_180 = tpu.memref_slice %arg5[%and3A_70, %run_scoped3A_118, %dma_wait3A_179] : memref<2x2x768xi32, #tpu.memory_space<vmem>> -> memref<1x1x128xi32, #tpu.memory_space<vmem>>
        %dma_wait3A_181 = tpu.memref_squeeze %dma_wait3A_180 : memref<1x1x128xi32, #tpu.memory_space<vmem>> -> memref<128xi32, #tpu.memory_space<vmem>>
        %dma_wait3A_182 = arith.constant 0 : i32
        %dma_wait3A_183 = arith.constant 0 : i32
        %dma_wait3A_184 = tpu.memref_slice %arg8[%dma_wait3A_182, %dma_wait3A_183] : memref<10240x128xf32, #tpu.memory_space<vmem_shared>> -> memref<10240x128xf32, #tpu.memory_space<vmem_shared>>
        tpu.wait_indirect_dma semaphore(%run_scoped3A_172 : memref<!tpu.dma_semaphore, #tpu.memory_space<semaphore_mem>>) src(%arg6 : memref<128x128xf32, #tpu.memory_space<vmem>>) dst(%dma_wait3A_184 : memref<10240x128xf32, #tpu.memory_space<vmem_shared>>)
        tpu.yield
      }) : () -> ()
      %dma_start3A_119 = arith.constant 0 : i32
      %dma_start3A_120 = arith.constant 512 : i32
      %dma_start3A_121 = tpu.memref_slice %arg5[%and3A_70, %dma_start3A_119, %dma_start3A_120] : memref<2x2x768xi32, #tpu.memory_space<vmem>> -> memref<1x1x128xi32, #tpu.memory_space<vmem>>
      %dma_start3A_122 = tpu.memref_squeeze %dma_start3A_121 : memref<1x1x128xi32, #tpu.memory_space<vmem>> -> memref<128xi32, #tpu.memory_space<vmem>>
      %dma_start3A_123 = arith.constant 0 : i32
      %dma_start3A_124 = arith.constant 0 : i32
      %dma_start3A_125 = tpu.memref_slice %arg2[%dma_start3A_123, %dma_start3A_124] : memref<10000x128xf32, #tpu.memory_space<hbm>> -> memref<10000x128xf32, #tpu.memory_space<hbm>>
      tpu.enqueue_indirect_dma source(%dma_start3A_125 : memref<10000x128xf32, #tpu.memory_space<hbm>>) target(%arg6 : memref<128x128xf32, #tpu.memory_space<vmem>>) offsets(%dma_start3A_122 : memref<128xi32, #tpu.memory_space<vmem>>) semaphore(%arg9 : memref<!tpu.dma_semaphore, #tpu.memory_space<semaphore_mem>>)
      %dma_wait3A_126 = arith.constant 0 : i32
      %dma_wait3A_127 = arith.constant 384 : i32
      %dma_wait3A_128 = tpu.memref_slice %arg5[%and3A_70, %dma_wait3A_126, %dma_wait3A_127] : memref<2x2x768xi32, #tpu.memory_space<vmem>> -> memref<1x1x128xi32, #tpu.memory_space<vmem>>
      %dma_wait3A_129 = tpu.memref_squeeze %dma_wait3A_128 : memref<1x1x128xi32, #tpu.memory_space<vmem>> -> memref<128xi32, #tpu.memory_space<vmem>>
      %dma_wait3A_130 = arith.constant 0 : i32
      %dma_wait3A_131 = arith.constant 0 : i32
      %dma_wait3A_132 = tpu.memref_slice %arg2[%dma_wait3A_130, %dma_wait3A_131] : memref<10000x128xf32, #tpu.memory_space<hbm>> -> memref<10000x128xf32, #tpu.memory_space<hbm>>
      tpu.wait_indirect_dma semaphore(%arg10 : memref<!tpu.dma_semaphore, #tpu.memory_space<semaphore_mem>>) src(%dma_wait3A_132 : memref<10000x128xf32, #tpu.memory_space<hbm>>) dst(%arg7 : memref<128x128xf32, #tpu.memory_space<vmem>>)
      %run_scoped3A_133 = arith.constant 1 : i32
      "tpu.region"() ({
        %run_scoped3A_172 = tpu.sem_alloc : memref<!tpu.dma_semaphore, #tpu.memory_space<semaphore_mem>>
        %dma_start3A_173 = arith.constant 384 : i32
        %dma_start3A_174 = tpu.memref_slice %arg5[%and3A_70, %run_scoped3A_133, %dma_start3A_173] : memref<2x2x768xi32, #tpu.memory_space<vmem>> -> memref<1x1x128xi32, #tpu.memory_space<vmem>>
        %dma_start3A_175 = tpu.memref_squeeze %dma_start3A_174 : memref<1x1x128xi32, #tpu.memory_space<vmem>> -> memref<128xi32, #tpu.memory_space<vmem>>
        %dma_start3A_176 = arith.constant 0 : i32
        %dma_start3A_177 = arith.constant 0 : i32
        %dma_start3A_178 = tpu.memref_slice %arg8[%dma_start3A_176, %dma_start3A_177] : memref<10240x128xf32, #tpu.memory_space<vmem_shared>> -> memref<10240x128xf32, #tpu.memory_space<vmem_shared>>
        tpu.enqueue_indirect_dma source(%arg7 : memref<128x128xf32, #tpu.memory_space<vmem>>) target(%dma_start3A_178 : memref<10240x128xf32, #tpu.memory_space<vmem_shared>>) offsets(%dma_start3A_175 : memref<128xi32, #tpu.memory_space<vmem>>) semaphore(%run_scoped3A_172 : memref<!tpu.dma_semaphore, #tpu.memory_space<semaphore_mem>>) {add = true}
        %dma_wait3A_179 = arith.constant 384 : i32
        %dma_wait3A_180 = tpu.memref_slice %arg5[%and3A_70, %run_scoped3A_133, %dma_wait3A_179] : memref<2x2x768xi32, #tpu.memory_space<vmem>> -> memref<1x1x128xi32, #tpu.memory_space<vmem>>
        %dma_wait3A_181 = tpu.memref_squeeze %dma_wait3A_180 : memref<1x1x128xi32, #tpu.memory_space<vmem>> -> memref<128xi32, #tpu.memory_space<vmem>>
        %dma_wait3A_182 = arith.constant 0 : i32
        %dma_wait3A_183 = arith.constant 0 : i32
        %dma_wait3A_184 = tpu.memref_slice %arg8[%dma_wait3A_182, %dma_wait3A_183] : memref<10240x128xf32, #tpu.memory_space<vmem_shared>> -> memref<10240x128xf32, #tpu.memory_space<vmem_shared>>
        tpu.wait_indirect_dma semaphore(%run_scoped3A_172 : memref<!tpu.dma_semaphore, #tpu.memory_space<semaphore_mem>>) src(%arg7 : memref<128x128xf32, #tpu.memory_space<vmem>>) dst(%dma_wait3A_184 : memref<10240x128xf32, #tpu.memory_space<vmem_shared>>)
        tpu.yield
      }) : () -> ()
      %dma_start3A_134 = arith.constant 0 : i32
      %dma_start3A_135 = arith.constant 640 : i32
      %dma_start3A_136 = tpu.memref_slice %arg5[%and3A_70, %dma_start3A_134, %dma_start3A_135] : memref<2x2x768xi32, #tpu.memory_space<vmem>> -> memref<1x1x128xi32, #tpu.memory_space<vmem>>
      %dma_start3A_137 = tpu.memref_squeeze %dma_start3A_136 : memref<1x1x128xi32, #tpu.memory_space<vmem>> -> memref<128xi32, #tpu.memory_space<vmem>>
      %dma_start3A_138 = arith.constant 0 : i32
      %dma_start3A_139 = arith.constant 0 : i32
      %dma_start3A_140 = tpu.memref_slice %arg2[%dma_start3A_138, %dma_start3A_139] : memref<10000x128xf32, #tpu.memory_space<hbm>> -> memref<10000x128xf32, #tpu.memory_space<hbm>>
      tpu.enqueue_indirect_dma source(%dma_start3A_140 : memref<10000x128xf32, #tpu.memory_space<hbm>>) target(%arg7 : memref<128x128xf32, #tpu.memory_space<vmem>>) offsets(%dma_start3A_137 : memref<128xi32, #tpu.memory_space<vmem>>) semaphore(%arg10 : memref<!tpu.dma_semaphore, #tpu.memory_space<semaphore_mem>>)
      %not3A_141 = arith.constant true
      %not3A_142 = arith.xori %eq3A_72, %not3A_141 : i1
      %convert_element_type3A_143 = arith.extui %not3A_142 : i1 to i32
      %cond3A_144 = arith.constant 0 : i32
      %cond3A_145 = arith.cmpi ne, %convert_element_type3A_143, %cond3A_144 : i32
      scf.if %cond3A_145 {
        %dma_wait3A_172 = arith.constant 0 : i32
        %dma_wait3A_173 = arith.constant 0 : i32
        %dma_wait3A_174 = tpu.memref_slice %arg5[%sub3A_71, %dma_wait3A_172, %dma_wait3A_173] : memref<2x2x768xi32, #tpu.memory_space<vmem>> -> memref<1x2x768xi32, #tpu.memory_space<vmem>>
        %dma_wait3A_175 = tpu.memref_squeeze %dma_wait3A_174 : memref<1x2x768xi32, #tpu.memory_space<vmem>> -> memref<2x768xi32, #tpu.memory_space<vmem>>
        %dma_wait3A_176 = arith.constant 0 : i32
        %dma_wait3A_177 = tpu.memref_slice %arg3[%dma_wait3A_176, %add3A_77] : memref<2x320000xi32, #tpu.memory_space<hbm>> -> memref<2x768xi32, #tpu.memory_space<hbm>>
        %dma_wait3A_178 = arith.constant 0 : i32
        %dma_wait3A_179 = arith.constant 0 : i32
        %dma_wait3A_180 = tpu.memref_slice %arg5[%sub3A_71, %dma_wait3A_178, %dma_wait3A_179] : memref<2x2x768xi32, #tpu.memory_space<vmem>> -> memref<1x2x768xi32, #tpu.memory_space<vmem>>
        %dma_wait3A_181 = tpu.memref_squeeze %dma_wait3A_180 : memref<1x2x768xi32, #tpu.memory_space<vmem>> -> memref<2x768xi32, #tpu.memory_space<vmem>>
        %dma_wait3A_182 = arith.constant 0 : i32
        %dma_wait3A_183 = tpu.memref_slice %arg3[%dma_wait3A_182, %add3A_77] : memref<2x320000xi32, #tpu.memory_space<hbm>> -> memref<2x768xi32, #tpu.memory_space<hbm>>
        tpu.wait_dma2 semaphore(%arg11 : memref<!tpu.dma_semaphore, #tpu.memory_space<semaphore_mem>>) src(%dma_wait3A_183 : memref<2x768xi32, #tpu.memory_space<hbm>>) dst(%dma_wait3A_181 : memref<2x768xi32, #tpu.memory_space<vmem>>)
      } else {
      }
      %dma_wait3A_146 = arith.constant 0 : i32
      %dma_wait3A_147 = arith.constant 512 : i32
      %dma_wait3A_148 = tpu.memref_slice %arg5[%and3A_70, %dma_wait3A_146, %dma_wait3A_147] : memref<2x2x768xi32, #tpu.memory_space<vmem>> -> memref<1x1x128xi32, #tpu.memory_space<vmem>>
      %dma_wait3A_149 = tpu.memref_squeeze %dma_wait3A_148 : memref<1x1x128xi32, #tpu.memory_space<vmem>> -> memref<128xi32, #tpu.memory_space<vmem>>
      %dma_wait3A_150 = arith.constant 0 : i32
      %dma_wait3A_151 = arith.constant 0 : i32
      %dma_wait3A_152 = tpu.memref_slice %arg2[%dma_wait3A_150, %dma_wait3A_151] : memref<10000x128xf32, #tpu.memory_space<hbm>> -> memref<10000x128xf32, #tpu.memory_space<hbm>>
      tpu.wait_indirect_dma semaphore(%arg9 : memref<!tpu.dma_semaphore, #tpu.memory_space<semaphore_mem>>) src(%dma_wait3A_152 : memref<10000x128xf32, #tpu.memory_space<hbm>>) dst(%arg6 : memref<128x128xf32, #tpu.memory_space<vmem>>)
      %run_scoped3A_153 = arith.constant 1 : i32
      "tpu.region"() ({
        %run_scoped3A_172 = tpu.sem_alloc : memref<!tpu.dma_semaphore, #tpu.memory_space<semaphore_mem>>
        %dma_start3A_173 = arith.constant 512 : i32
        %dma_start3A_174 = tpu.memref_slice %arg5[%and3A_70, %run_scoped3A_153, %dma_start3A_173] : memref<2x2x768xi32, #tpu.memory_space<vmem>> -> memref<1x1x128xi32, #tpu.memory_space<vmem>>
        %dma_start3A_175 = tpu.memref_squeeze %dma_start3A_174 : memref<1x1x128xi32, #tpu.memory_space<vmem>> -> memref<128xi32, #tpu.memory_space<vmem>>
        %dma_start3A_176 = arith.constant 0 : i32
        %dma_start3A_177 = arith.constant 0 : i32
        %dma_start3A_178 = tpu.memref_slice %arg8[%dma_start3A_176, %dma_start3A_177] : memref<10240x128xf32, #tpu.memory_space<vmem_shared>> -> memref<10240x128xf32, #tpu.memory_space<vmem_shared>>
        tpu.enqueue_indirect_dma source(%arg6 : memref<128x128xf32, #tpu.memory_space<vmem>>) target(%dma_start3A_178 : memref<10240x128xf32, #tpu.memory_space<vmem_shared>>) offsets(%dma_start3A_175 : memref<128xi32, #tpu.memory_space<vmem>>) semaphore(%run_scoped3A_172 : memref<!tpu.dma_semaphore, #tpu.memory_space<semaphore_mem>>) {add = true}
        %dma_wait3A_179 = arith.constant 512 : i32
        %dma_wait3A_180 = tpu.memref_slice %arg5[%and3A_70, %run_scoped3A_153, %dma_wait3A_179] : memref<2x2x768xi32, #tpu.memory_space<vmem>> -> memref<1x1x128xi32, #tpu.memory_space<vmem>>
        %dma_wait3A_181 = tpu.memref_squeeze %dma_wait3A_180 : memref<1x1x128xi32, #tpu.memory_space<vmem>> -> memref<128xi32, #tpu.memory_space<vmem>>
        %dma_wait3A_182 = arith.constant 0 : i32
        %dma_wait3A_183 = arith.constant 0 : i32
        %dma_wait3A_184 = tpu.memref_slice %arg8[%dma_wait3A_182, %dma_wait3A_183] : memref<10240x128xf32, #tpu.memory_space<vmem_shared>> -> memref<10240x128xf32, #tpu.memory_space<vmem_shared>>
        tpu.wait_indirect_dma semaphore(%run_scoped3A_172 : memref<!tpu.dma_semaphore, #tpu.memory_space<semaphore_mem>>) src(%arg6 : memref<128x128xf32, #tpu.memory_space<vmem>>) dst(%dma_wait3A_184 : memref<10240x128xf32, #tpu.memory_space<vmem_shared>>)
        tpu.yield
      }) : () -> ()
      %not3A_154 = arith.constant true
      %not3A_155 = arith.xori %eq3A_72, %not3A_154 : i1
      %convert_element_type3A_156 = arith.extui %not3A_155 : i1 to i32
      %cond3A_157 = arith.constant 0 : i32
      %cond3A_158 = arith.cmpi ne, %convert_element_type3A_156, %cond3A_157 : i32
      scf.if %cond3A_158 {
        %dma_start3A_172 = arith.constant 0 : i32
        %dma_start3A_173 = arith.constant 0 : i32
        %dma_start3A_174 = tpu.memref_slice %arg5[%sub3A_71, %dma_start3A_172, %dma_start3A_173] : memref<2x2x768xi32, #tpu.memory_space<vmem>> -> memref<1x1x128xi32, #tpu.memory_space<vmem>>
        %dma_start3A_175 = tpu.memref_squeeze %dma_start3A_174 : memref<1x1x128xi32, #tpu.memory_space<vmem>> -> memref<128xi32, #tpu.memory_space<vmem>>
        %dma_start3A_176 = arith.constant 0 : i32
        %dma_start3A_177 = arith.constant 0 : i32
        %dma_start3A_178 = tpu.memref_slice %arg2[%dma_start3A_176, %dma_start3A_177] : memref<10000x128xf32, #tpu.memory_space<hbm>> -> memref<10000x128xf32, #tpu.memory_space<hbm>>
        tpu.enqueue_indirect_dma source(%dma_start3A_178 : memref<10000x128xf32, #tpu.memory_space<hbm>>) target(%arg6 : memref<128x128xf32, #tpu.memory_space<vmem>>) offsets(%dma_start3A_175 : memref<128xi32, #tpu.memory_space<vmem>>) semaphore(%arg9 : memref<!tpu.dma_semaphore, #tpu.memory_space<semaphore_mem>>)
      } else {
      }
      %dma_wait3A_159 = arith.constant 0 : i32
      %dma_wait3A_160 = arith.constant 640 : i32
      %dma_wait3A_161 = tpu.memref_slice %arg5[%and3A_70, %dma_wait3A_159, %dma_wait3A_160] : memref<2x2x768xi32, #tpu.memory_space<vmem>> -> memref<1x1x128xi32, #tpu.memory_space<vmem>>
      %dma_wait3A_162 = tpu.memref_squeeze %dma_wait3A_161 : memref<1x1x128xi32, #tpu.memory_space<vmem>> -> memref<128xi32, #tpu.memory_space<vmem>>
      %dma_wait3A_163 = arith.constant 0 : i32
      %dma_wait3A_164 = arith.constant 0 : i32
      %dma_wait3A_165 = tpu.memref_slice %arg2[%dma_wait3A_163, %dma_wait3A_164] : memref<10000x128xf32, #tpu.memory_space<hbm>> -> memref<10000x128xf32, #tpu.memory_space<hbm>>
      tpu.wait_indirect_dma semaphore(%arg10 : memref<!tpu.dma_semaphore, #tpu.memory_space<semaphore_mem>>) src(%dma_wait3A_165 : memref<10000x128xf32, #tpu.memory_space<hbm>>) dst(%arg7 : memref<128x128xf32, #tpu.memory_space<vmem>>)
      %run_scoped3A_166 = arith.constant 1 : i32
      "tpu.region"() ({
        %run_scoped3A_172 = tpu.sem_alloc : memref<!tpu.dma_semaphore, #tpu.memory_space<semaphore_mem>>
        %dma_start3A_173 = arith.constant 640 : i32
        %dma_start3A_174 = tpu.memref_slice %arg5[%and3A_70, %run_scoped3A_166, %dma_start3A_173] : memref<2x2x768xi32, #tpu.memory_space<vmem>> -> memref<1x1x128xi32, #tpu.memory_space<vmem>>
        %dma_start3A_175 = tpu.memref_squeeze %dma_start3A_174 : memref<1x1x128xi32, #tpu.memory_space<vmem>> -> memref<128xi32, #tpu.memory_space<vmem>>
        %dma_start3A_176 = arith.constant 0 : i32
        %dma_start3A_177 = arith.constant 0 : i32
        %dma_start3A_178 = tpu.memref_slice %arg8[%dma_start3A_176, %dma_start3A_177] : memref<10240x128xf32, #tpu.memory_space<vmem_shared>> -> memref<10240x128xf32, #tpu.memory_space<vmem_shared>>
        tpu.enqueue_indirect_dma source(%arg7 : memref<128x128xf32, #tpu.memory_space<vmem>>) target(%dma_start3A_178 : memref<10240x128xf32, #tpu.memory_space<vmem_shared>>) offsets(%dma_start3A_175 : memref<128xi32, #tpu.memory_space<vmem>>) semaphore(%run_scoped3A_172 : memref<!tpu.dma_semaphore, #tpu.memory_space<semaphore_mem>>) {add = true}
        %dma_wait3A_179 = arith.constant 640 : i32
        %dma_wait3A_180 = tpu.memref_slice %arg5[%and3A_70, %run_scoped3A_166, %dma_wait3A_179] : memref<2x2x768xi32, #tpu.memory_space<vmem>> -> memref<1x1x128xi32, #tpu.memory_space<vmem>>
        %dma_wait3A_181 = tpu.memref_squeeze %dma_wait3A_180 : memref<1x1x128xi32, #tpu.memory_space<vmem>> -> memref<128xi32, #tpu.memory_space<vmem>>
        %dma_wait3A_182 = arith.constant 0 : i32
        %dma_wait3A_183 = arith.constant 0 : i32
        %dma_wait3A_184 = tpu.memref_slice %arg8[%dma_wait3A_182, %dma_wait3A_183] : memref<10240x128xf32, #tpu.memory_space<vmem_shared>> -> memref<10240x128xf32, #tpu.memory_space<vmem_shared>>
        tpu.wait_indirect_dma semaphore(%run_scoped3A_172 : memref<!tpu.dma_semaphore, #tpu.memory_space<semaphore_mem>>) src(%arg7 : memref<128x128xf32, #tpu.memory_space<vmem>>) dst(%dma_wait3A_184 : memref<10240x128xf32, #tpu.memory_space<vmem_shared>>)
        tpu.yield
      }) : () -> ()
      %not3A_167 = arith.constant true
      %not3A_168 = arith.xori %eq3A_72, %not3A_167 : i1
      %convert_element_type3A_169 = arith.extui %not3A_168 : i1 to i32
      %cond3A_170 = arith.constant 0 : i32
      %cond3A_171 = arith.cmpi ne, %convert_element_type3A_169, %cond3A_170 : i32
      scf.if %cond3A_171 {
        %dma_start3A_172 = arith.constant 0 : i32
        %dma_start3A_173 = arith.constant 128 : i32
        %dma_start3A_174 = tpu.memref_slice %arg5[%sub3A_71, %dma_start3A_172, %dma_start3A_173] : memref<2x2x768xi32, #tpu.memory_space<vmem>> -> memref<1x1x128xi32, #tpu.memory_space<vmem>>
        %dma_start3A_175 = tpu.memref_squeeze %dma_start3A_174 : memref<1x1x128xi32, #tpu.memory_space<vmem>> -> memref<128xi32, #tpu.memory_space<vmem>>
        %dma_start3A_176 = arith.constant 0 : i32
        %dma_start3A_177 = arith.constant 0 : i32
        %dma_start3A_178 = tpu.memref_slice %arg2[%dma_start3A_176, %dma_start3A_177] : memref<10000x128xf32, #tpu.memory_space<hbm>> -> memref<10000x128xf32, #tpu.memory_space<hbm>>
        tpu.enqueue_indirect_dma source(%dma_start3A_178 : memref<10000x128xf32, #tpu.memory_space<hbm>>) target(%arg7 : memref<128x128xf32, #tpu.memory_space<vmem>>) offsets(%dma_start3A_175 : memref<128xi32, #tpu.memory_space<vmem>>) semaphore(%arg10 : memref<!tpu.dma_semaphore, #tpu.memory_space<semaphore_mem>>)
      } else {
      }
    }
    %scan3A_65 = arith.constant 13 : i32
    %lt3A = arith.constant 4 : i32
    %lt3A_66 = arith.cmpi slt, %add3A, %lt3A : i32
    %convert_element_type3A = arith.extui %lt3A_66 : i1 to i32
    %cond3A = arith.constant 0 : i32
    %cond3A_67 = arith.cmpi ne, %convert_element_type3A, %cond3A : i32
    scf.if %cond3A_67 {
      %add3A_69 = arith.constant 2496 : i32
      %add3A_70 = arith.addi %add3A_69, %add3A : i32
      %mul3A_71 = arith.constant 128 : i32
      %mul3A_72 = arith.muli %add3A_70, %mul3A_71 : i32
      %run_scoped3A = arith.constant 0 : i32
      "tpu.region"() ({
        %run_scoped3A_91 = tpu.sem_alloc : memref<!tpu.dma_semaphore, #tpu.memory_space<semaphore_mem>>
        %dma_start3A_92 = arith.constant 0 : i32
        %dma_start3A_93 = arith.constant 0 : i32
        %dma_start3A_94 = tpu.memref_slice %arg5[%run_scoped3A, %dma_start3A_92, %dma_start3A_93] : memref<2x2x768xi32, #tpu.memory_space<vmem>> -> memref<1x2x128xi32, #tpu.memory_space<vmem>>
        %dma_start3A_95 = tpu.memref_squeeze %dma_start3A_94 : memref<1x2x128xi32, #tpu.memory_space<vmem>> -> memref<2x128xi32, #tpu.memory_space<vmem>>
        %dma_start3A_96 = arith.constant 0 : i32
        %dma_start3A_97 = tpu.memref_slice %arg3[%dma_start3A_96, %mul3A_72] : memref<2x320000xi32, #tpu.memory_space<hbm>> -> memref<2x128xi32, #tpu.memory_space<hbm>>
        %dma_start3A_98 = arith.constant 0 : i32
        %dma_start3A_99 = arith.constant 0 : i32
        %dma_start3A_100 = tpu.memref_slice %arg5[%run_scoped3A, %dma_start3A_98, %dma_start3A_99] : memref<2x2x768xi32, #tpu.memory_space<vmem>> -> memref<1x2x128xi32, #tpu.memory_space<vmem>>
        %dma_start3A_101 = tpu.memref_squeeze %dma_start3A_100 : memref<1x2x128xi32, #tpu.memory_space<vmem>> -> memref<2x128xi32, #tpu.memory_space<vmem>>
        %dma_start3A_102 = arith.constant 0 : i32
        %dma_start3A_103 = tpu.memref_slice %arg3[%dma_start3A_102, %mul3A_72] : memref<2x320000xi32, #tpu.memory_space<hbm>> -> memref<2x128xi32, #tpu.memory_space<hbm>>
        tpu.enqueue_dma source(%dma_start3A_103 : memref<2x128xi32, #tpu.memory_space<hbm>>) target(%dma_start3A_101 : memref<2x128xi32, #tpu.memory_space<vmem>>) target_semaphore(%run_scoped3A_91 : memref<!tpu.dma_semaphore, #tpu.memory_space<semaphore_mem>>)
        %dma_wait3A_104 = arith.constant 0 : i32
        %dma_wait3A_105 = arith.constant 0 : i32
        %dma_wait3A_106 = tpu.memref_slice %arg5[%run_scoped3A, %dma_wait3A_104, %dma_wait3A_105] : memref<2x2x768xi32, #tpu.memory_space<vmem>> -> memref<1x2x128xi32, #tpu.memory_space<vmem>>
        %dma_wait3A_107 = tpu.memref_squeeze %dma_wait3A_106 : memref<1x2x128xi32, #tpu.memory_space<vmem>> -> memref<2x128xi32, #tpu.memory_space<vmem>>
        %dma_wait3A_108 = arith.constant 0 : i32
        %dma_wait3A_109 = tpu.memref_slice %arg3[%dma_wait3A_108, %mul3A_72] : memref<2x320000xi32, #tpu.memory_space<hbm>> -> memref<2x128xi32, #tpu.memory_space<hbm>>
        %dma_wait3A_110 = arith.constant 0 : i32
        %dma_wait3A_111 = arith.constant 0 : i32
        %dma_wait3A_112 = tpu.memref_slice %arg5[%run_scoped3A, %dma_wait3A_110, %dma_wait3A_111] : memref<2x2x768xi32, #tpu.memory_space<vmem>> -> memref<1x2x128xi32, #tpu.memory_space<vmem>>
        %dma_wait3A_113 = tpu.memref_squeeze %dma_wait3A_112 : memref<1x2x128xi32, #tpu.memory_space<vmem>> -> memref<2x128xi32, #tpu.memory_space<vmem>>
        %dma_wait3A_114 = arith.constant 0 : i32
        %dma_wait3A_115 = tpu.memref_slice %arg3[%dma_wait3A_114, %mul3A_72] : memref<2x320000xi32, #tpu.memory_space<hbm>> -> memref<2x128xi32, #tpu.memory_space<hbm>>
        tpu.wait_dma2 semaphore(%run_scoped3A_91 : memref<!tpu.dma_semaphore, #tpu.memory_space<semaphore_mem>>) src(%dma_wait3A_115 : memref<2x128xi32, #tpu.memory_space<hbm>>) dst(%dma_wait3A_113 : memref<2x128xi32, #tpu.memory_space<vmem>>)
        tpu.yield
      }) : () -> ()
      %dma_start3A_73 = arith.constant 0 : i32
      %dma_start3A_74 = arith.constant 0 : i32
      %dma_start3A_75 = arith.constant 0 : i32
      %dma_start3A_76 = tpu.memref_slice %arg5[%dma_start3A_73, %dma_start3A_74, %dma_start3A_75] : memref<2x2x768xi32, #tpu.memory_space<vmem>> -> memref<1x1x128xi32, #tpu.memory_space<vmem>>
      %dma_start3A_77 = tpu.memref_squeeze %dma_start3A_76 : memref<1x1x128xi32, #tpu.memory_space<vmem>> -> memref<128xi32, #tpu.memory_space<vmem>>
      %dma_start3A_78 = arith.constant 0 : i32
      %dma_start3A_79 = arith.constant 0 : i32
      %dma_start3A_80 = tpu.memref_slice %arg2[%dma_start3A_78, %dma_start3A_79] : memref<10000x128xf32, #tpu.memory_space<hbm>> -> memref<10000x128xf32, #tpu.memory_space<hbm>>
      tpu.enqueue_indirect_dma source(%dma_start3A_80 : memref<10000x128xf32, #tpu.memory_space<hbm>>) target(%arg6 : memref<128x128xf32, #tpu.memory_space<vmem>>) offsets(%dma_start3A_77 : memref<128xi32, #tpu.memory_space<vmem>>) semaphore(%arg9 : memref<!tpu.dma_semaphore, #tpu.memory_space<semaphore_mem>>)
      %dma_wait3A_81 = arith.constant 0 : i32
      %dma_wait3A_82 = arith.constant 0 : i32
      %dma_wait3A_83 = arith.constant 0 : i32
      %dma_wait3A_84 = tpu.memref_slice %arg5[%dma_wait3A_81, %dma_wait3A_82, %dma_wait3A_83] : memref<2x2x768xi32, #tpu.memory_space<vmem>> -> memref<1x1x128xi32, #tpu.memory_space<vmem>>
      %dma_wait3A_85 = tpu.memref_squeeze %dma_wait3A_84 : memref<1x1x128xi32, #tpu.memory_space<vmem>> -> memref<128xi32, #tpu.memory_space<vmem>>
      %dma_wait3A_86 = arith.constant 0 : i32
      %dma_wait3A_87 = arith.constant 0 : i32
      %dma_wait3A_88 = tpu.memref_slice %arg2[%dma_wait3A_86, %dma_wait3A_87] : memref<10000x128xf32, #tpu.memory_space<hbm>> -> memref<10000x128xf32, #tpu.memory_space<hbm>>
      tpu.wait_indirect_dma semaphore(%arg9 : memref<!tpu.dma_semaphore, #tpu.memory_space<semaphore_mem>>) src(%dma_wait3A_88 : memref<10000x128xf32, #tpu.memory_space<hbm>>) dst(%arg6 : memref<128x128xf32, #tpu.memory_space<vmem>>)
      %run_scoped3A_89 = arith.constant 0 : i32
      %run_scoped3A_90 = arith.constant 1 : i32
      "tpu.region"() ({
        %run_scoped3A_91 = tpu.sem_alloc : memref<!tpu.dma_semaphore, #tpu.memory_space<semaphore_mem>>
        %dma_start3A_92 = arith.constant 0 : i32
        %dma_start3A_93 = tpu.memref_slice %arg5[%run_scoped3A_89, %run_scoped3A_90, %dma_start3A_92] : memref<2x2x768xi32, #tpu.memory_space<vmem>> -> memref<1x1x128xi32, #tpu.memory_space<vmem>>
        %dma_start3A_94 = tpu.memref_squeeze %dma_start3A_93 : memref<1x1x128xi32, #tpu.memory_space<vmem>> -> memref<128xi32, #tpu.memory_space<vmem>>
        %dma_start3A_95 = arith.constant 0 : i32
        %dma_start3A_96 = arith.constant 0 : i32
        %dma_start3A_97 = tpu.memref_slice %arg8[%dma_start3A_95, %dma_start3A_96] : memref<10240x128xf32, #tpu.memory_space<vmem_shared>> -> memref<10240x128xf32, #tpu.memory_space<vmem_shared>>
        tpu.enqueue_indirect_dma source(%arg6 : memref<128x128xf32, #tpu.memory_space<vmem>>) target(%dma_start3A_97 : memref<10240x128xf32, #tpu.memory_space<vmem_shared>>) offsets(%dma_start3A_94 : memref<128xi32, #tpu.memory_space<vmem>>) semaphore(%run_scoped3A_91 : memref<!tpu.dma_semaphore, #tpu.memory_space<semaphore_mem>>) {add = true}
        %dma_wait3A_98 = arith.constant 0 : i32
        %dma_wait3A_99 = tpu.memref_slice %arg5[%run_scoped3A_89, %run_scoped3A_90, %dma_wait3A_98] : memref<2x2x768xi32, #tpu.memory_space<vmem>> -> memref<1x1x128xi32, #tpu.memory_space<vmem>>
        %dma_wait3A_100 = tpu.memref_squeeze %dma_wait3A_99 : memref<1x1x128xi32, #tpu.memory_space<vmem>> -> memref<128xi32, #tpu.memory_space<vmem>>
        %dma_wait3A_101 = arith.constant 0 : i32
        %dma_wait3A_102 = arith.constant 0 : i32
        %dma_wait3A_103 = tpu.memref_slice %arg8[%dma_wait3A_101, %dma_wait3A_102] : memref<10240x128xf32, #tpu.memory_space<vmem_shared>> -> memref<10240x128xf32, #tpu.memory_space<vmem_shared>>
        tpu.wait_indirect_dma semaphore(%run_scoped3A_91 : memref<!tpu.dma_semaphore, #tpu.memory_space<semaphore_mem>>) src(%arg6 : memref<128x128xf32, #tpu.memory_space<vmem>>) dst(%dma_wait3A_103 : memref<10240x128xf32, #tpu.memory_space<vmem_shared>>)
        tpu.yield
      }) : () -> ()
    } else {
    }
    %barrier3A_68 = arith.constant 0 : index
    tpu.barrier barrier_id(%barrier3A_68)
    "tpu.region"() ({
      %run_scoped3A = tpu.sem_alloc : memref<!tpu.dma_semaphore, #tpu.memory_space<semaphore_mem>>
      %dma_start3A_69 = arith.constant 0 : i32
      %dma_start3A_70 = tpu.memref_slice %arg4[%arg0, %mul3A_21, %dma_start3A_69] : memref<2x10240x128xf32, #tpu.memory_space<hbm>> -> memref<1x640x128xf32, #tpu.memory_space<hbm>>
      %dma_start3A_71 = tpu.memref_squeeze %dma_start3A_70 : memref<1x640x128xf32, #tpu.memory_space<hbm>> -> memref<640x128xf32, #tpu.memory_space<hbm>>
      %dma_start3A_72 = arith.constant 0 : i32
      %dma_start3A_73 = tpu.memref_slice %arg8[%mul3A_21, %dma_start3A_72] : memref<10240x128xf32, #tpu.memory_space<vmem_shared>> -> memref<640x128xf32, #tpu.memory_space<vmem_shared>>
      tpu.enqueue_dma source(%dma_start3A_73 : memref<640x128xf32, #tpu.memory_space<vmem_shared>>) target(%dma_start3A_71 : memref<640x128xf32, #tpu.memory_space<hbm>>) target_semaphore(%run_scoped3A : memref<!tpu.dma_semaphore, #tpu.memory_space<semaphore_mem>>)
      %dma_wait3A_74 = arith.constant 0 : i32
      %dma_wait3A_75 = tpu.memref_slice %arg4[%arg0, %mul3A_21, %dma_wait3A_74] : memref<2x10240x128xf32, #tpu.memory_space<hbm>> -> memref<1x640x128xf32, #tpu.memory_space<hbm>>
      %dma_wait3A_76 = tpu.memref_squeeze %dma_wait3A_75 : memref<1x640x128xf32, #tpu.memory_space<hbm>> -> memref<640x128xf32, #tpu.memory_space<hbm>>
      %dma_wait3A_77 = arith.constant 0 : i32
      %dma_wait3A_78 = tpu.memref_slice %arg8[%mul3A_21, %dma_wait3A_77] : memref<10240x128xf32, #tpu.memory_space<vmem_shared>> -> memref<640x128xf32, #tpu.memory_space<vmem_shared>>
      tpu.wait_dma2 semaphore(%run_scoped3A : memref<!tpu.dma_semaphore, #tpu.memory_space<semaphore_mem>>) src(%dma_wait3A_78 : memref<640x128xf32, #tpu.memory_space<vmem_shared>>) dst(%dma_wait3A_76 : memref<640x128xf32, #tpu.memory_space<hbm>>)
      tpu.yield
    }) : () -> ()
    return
  }
}

module attributes {stable_mosaic.version = 14 : i64} {
  func.func @_tc_linear_body(%arg0: i32, %arg1: memref<2x5000x128xf32, #tpu.memory_space<vmem>>, %arg2: memref<128x128xf32, #tpu.memory_space<vmem>>, %arg3: memref<1x128xf32, #tpu.memory_space<vmem>>, %arg4: memref<5000x128xf32, #tpu.memory_space<vmem>>) attributes {dimension_semantics = [#tpu.dimension_semantics<arbitrary>], iteration_bounds = array<i64: 2>, scalar_prefetch = 0 : i64, scratch_operands = 0 : i64, tpu.core_type = #tpu.core_type<tc>, window_params = [{transform_indices = @transform_0, window_bounds = array<i64: 2, 5000, 128>}, {pipeline_mode = #tpu.pipeline_mode<synchronous>, transform_indices = @transform_1, window_bounds = array<i64: 128, 128>}, {pipeline_mode = #tpu.pipeline_mode<synchronous>, transform_indices = @transform_2, window_bounds = array<i64: 1, 128>}, {transform_indices = @transform_3, window_bounds = array<i64: 5000, 128>}]} {
    %get3A = arith.constant 0 : index
    %get3A_0 = arith.constant 0 : index
    %get3A_1 = arith.constant 0 : index
    %get3A_2 = vector.load %arg1[%get3A, %get3A_0, %get3A_1] : memref<2x5000x128xf32, #tpu.memory_space<vmem>>, vector<1x5000x128xf32>
    %get3A_3 = vector.shape_cast %get3A_2 : vector<1x5000x128xf32> to vector<5000x128xf32>
    %get3A_4 = arith.constant 1 : index
    %get3A_5 = arith.constant 0 : index
    %get3A_6 = arith.constant 0 : index
    %get3A_7 = vector.load %arg1[%get3A_4, %get3A_5, %get3A_6] : memref<2x5000x128xf32, #tpu.memory_space<vmem>>, vector<1x5000x128xf32>
    %get3A_8 = vector.shape_cast %get3A_7 : vector<1x5000x128xf32> to vector<5000x128xf32>
    %add3A = arith.addf %get3A_3, %get3A_8 : vector<5000x128xf32>
    %get3A_9 = arith.constant 0 : index
    %get3A_10 = arith.constant 0 : index
    %get3A_11 = vector.load %arg2[%get3A_9, %get3A_10] : memref<128x128xf32, #tpu.memory_space<vmem>>, vector<128x128xf32>
    %dot_general3A = arith.constant dense<0.000000e+00> : vector<5000x128xf32>
    %dot_general3A_12 = tpu.matmul %add3A, %get3A_11, %dot_general3A {dimension_numbers = #tpu.dot_dimension_numbers<[1], [1], [0], [0], [0, 0, 1, 0], [], []>, transpose_lhs_hint = false} : vector<5000x128xf32>, vector<128x128xf32>, vector<5000x128xf32> -> vector<5000x128xf32>
    %get3A_13 = arith.constant 0 : index
    %get3A_14 = arith.constant 0 : index
    %get3A_15 = vector.load %arg3[%get3A_13, %get3A_14] : memref<1x128xf32, #tpu.memory_space<vmem>>, vector<1x128xf32>
    %add3A_16 = vector.broadcast %get3A_15 : vector<1x128xf32> to vector<5000x128xf32>
    %add3A_17 = arith.addf %dot_general3A_12, %add3A_16 : vector<5000x128xf32>
    %swap3A = arith.constant 0 : index
    %swap3A_18 = arith.constant 0 : index
    %swap3A_19 = vector.load %arg4[%swap3A, %swap3A_18] : memref<5000x128xf32, #tpu.memory_space<vmem>>, vector<5000x128xf32>
    tpu.vector_store %arg4[%swap3A, %swap3A_18], %add3A_17 {strides = array<i32>} : memref<5000x128xf32, #tpu.memory_space<vmem>>, vector<5000x128xf32>,
    return
  }
  func.func @transform_0(%arg0: i32) -> (i32, i32, i32) {
    %c0_i32 = arith.constant 0 : i32
    %c0_i32_0 = arith.constant 0 : i32
    %c0_i32_1 = arith.constant 0 : i32
    return %c0_i32, %arg0, %c0_i32_0 : i32, i32, i32
  }
  func.func @transform_1(%arg0: i32) -> (i32, i32) {
    %c0_i32 = arith.constant 0 : i32
    %c0_i32_0 = arith.constant 0 : i32
    %c0_i32_1 = arith.constant 0 : i32
    return %c0_i32, %c0_i32_0 : i32, i32
  }
  func.func @transform_2(%arg0: i32) -> (i32, i32) {
    %c0_i32 = arith.constant 0 : i32
    %c0_i32_0 = arith.constant 0 : i32
    %c0_i32_1 = arith.constant 0 : i32
    return %c0_i32, %c0_i32_0 : i32, i32
  }
  func.func @transform_3(%arg0: i32) -> (i32, i32) {
    %c0_i32 = arith.constant 0 : i32
    %c0_i32_0 = arith.constant 0 : i32
    return %arg0, %c0_i32 : i32, i32
  }
}

</mosaic_0001>

<sc_bundles>
// kernel: kernel.4.cloned.1.call-start
scs
__scs_entry_jumppad:
0x0: {  	(pc) =	sbr.rel $0x88, $3  }
0x1: {  	(tag) =	ssettag $0x0;
	lr =	simm.s32 $0x1  }
0x2: {  	[smem:$0x3F9D] =	sst lr;
	_ =	strace $0xD0000000  }
0x3: {  	_ = 	snop  }
0x4: {  	_ = 	snop  }
0x5: {  	_ = 	snop  }
0x6: {  	_ = 	snop  }
0x7: {  	_ = 	snop  }
__scs_overlays_trampoline_lowered:
0x8: {  	[smem:$0x3FAC] =	sst s0  }
0x9: {  	[smem:$0x3FAD] =	sst s1  }
0xa: {  	[smem:$0x3FAE] =	sst s2  }
0xb: {  	[smem:$0x3FAF] =	sst s3  }
0xc: {  	[smem:$0x3FB0] =	sst s4  }
0xd: {  	[smem:$0x3FB1] =	sst s5  }
0xe: {  	[smem:$0x3FB2] =	sst s6  }
0xf: {  	[smem:$0x3FB3] =	sst s7  }
0x10: {  	[smem:$0x3FB4] =	sst s8  }
0x11: {  	[smem:$0x3FB5] =	sst s9;
	s0 =	simm.s32 @!p0 $0x0  }
0x12: {  	s1 =	sld [smem:$0x3F9B];
	s0 =	simm.s32 @p0 $0x1  }
0x13: {  	[smem:$0x3FB6] =	sst s0;
	s0 =	simm.s32 @!p1 $0x0  }
0x14: {  	s2 =	sld [smem:$0x3F9A];
	s0 =	simm.s32 @p1 $0x1  }
0x15: {  	[smem:$0x3FB7] =	sst s0;
	s0 =	simm.s32 @!p2 $0x0  }
0x16: {  	s3 =	sld [smem:$0x3FDB];
	s0 =	simm.s32 @p2 $0x1  }
0x17: {  	s4 =	simm.s32 $0x1BF5;
	[smem:$0x3FB9] =	sst s0  }
0x18: {  	s0 =	sld [smem:$0x3F9C];
	_ =	swait.ge [sflag:s4], $0x0  }
0x19: {  	s7 =	sld [smem:$0x3F9D]  }
0x1a: {  	s8 =	sadd.s32 $0xFFFFE003, lr  }
0x1b: {  	s9 =	sadd.s32 $0xFFFFFEF7, lr;
	s5 =	simm.s32 $0xFFFFFFFF;
	p2 =	slt.u32 s8, $0xFFFFF086  }
0x1c: {  	p1 =	slt.u32 s9, $0xF7A;
	s5 =	simm.s32 @!p2 $0x0  }
0x1d: {  	s5 =	simm.s32 @p1 $0x1;
	p0 =	seq.s32 s7, s2  }
0x1e: {  	s7 =	smul.u32 @!p0 $0xF7A, s2;
	p2 =	seq.s32 @!p0 s5, $0x0  }
0x1f: {  	s9 =	smul.u32 $0xF7A, s1;
	s8 =	simm.s32 @!p0 $0x1BF5;
	p2 =	por !p2, p0  }
0x20: {  	[sflag:s8] =	ssyncset.s32 @!p0 $0xFFFFF086;
	s6 =	sadd.s32 @!p0 s3, s7;
	s7 =	simm.s32 @!p0 $0x108  }
0x21: {  	s3 =	sadd.s32 s3, s9;
	s6 =	sadd.s32 @!p0 $0x88, s6;
	s7 =	simm.s32 @p2 $0x1082  }
0x22: {  	[simem:s7], [sflag:s8] =	dma.local @!p0 [hbm:s6], $0xF7A  }
0x23: {  	s9 =	sor.u32 $0xD0000000, s2;
	s6 =	simm.s32 $0x108;
	_ =	swait.ge @!p0 [sflag:s8], $0x0  }
0x24: {  	s3 =	sadd.s32 $0x88, s3;
	s6 =	simm.s32 @!p1 $0x1082;
	[sflag:s4] =	ssyncset.s32 $0xFFFFF086  }
0x25: {  	[simem:s6], [sflag:s4] =	dma.local [hbm:s3], $0xF7A  }
0x26: {  	[smem:$0x3F9D] =	sst s1;
	(tag) =	ssettag s2;
	_ =	strace s9  }
0x27: {  	s1 =	sld [smem:$0x3FAD]  }
0x28: {  	s2 =	sld [smem:$0x3FAE]  }
0x29: {  	s4 =	sld [smem:$0x3FB0]  }
0x2a: {  	p0 =	seq.s32 s5, $0x0;
	s5 =	sld [smem:$0x3FB1]  }
0x2b: {  	s6 =	sld [smem:$0x3FB2]  }
0x2c: {  	s7 =	sld [smem:$0x3FB3]  }
0x2d: {  	s3 =	simm.s32 $0x108;
	s8 =	sld [smem:$0x3FB4]  }
0x2e: {  	s3 =	simm.s32 @!p0 $0x1082;
	s9 =	sld [smem:$0x3FB5]  }
0x2f: {  	lr =	sadd.s32 s0, s3;
	s0 =	sld [smem:$0x3FAC]  }
0x30: {  	s3 =	sld [smem:$0x3FAF]  }
0x31: {  	[smem:$0x3FB8] =	sst s10  }
0x32: {  	s10 =	sld [smem:$0x3FB6];
	_ =	sdelay $0x3  }
0x33: {  	p0 =	seq.s32 s10, $0x1;
	s10 =	sld [smem:$0x3FB8];
	_ =	sdelay $0x3  }
0x34: {  	[smem:$0x3FB8] =	sst s10  }
0x35: {  	s10 =	sld [smem:$0x3FB7];
	_ =	sdelay $0x3  }
0x36: {  	p1 =	seq.s32 s10, $0x1;
	s10 =	sld [smem:$0x3FB8];
	_ =	sdelay $0x3  }
0x37: {  	[smem:$0x3FB8] =	sst s10  }
0x38: {  	s10 =	sld [smem:$0x3FB9]  }
0x39: {  	_ = 	snop;
	(pc) =	sbr.ind lr, $3  }
0x3a: {  	_ = 	snop  }
0x3b: {  	_ = 	snop  }
0x3c: {  	p2 =	seq.s32 s10, $0x1;
	s10 =	sld [smem:$0x3FB8]  }
0x3d: {  	_ =	shalt  }
0x3e: {  	_ =	shalt  }
0x3f: {  	_ =	shalt  }
0x40: {  	_ =	shalt  }
0x41: {  	_ =	shalt  }
0x42: {  	_ =	shalt  }
0x43: {  	_ =	shalt  }
0x44: {  	_ =	shalt  }
0x45: {  	_ =	shalt  }
0x46: {  	_ =	shalt  }
0x47: {  	_ =	shalt  }
0x48: {  	_ =	shalt  }
0x49: {  	_ =	shalt  }
0x4a: {  	_ =	shalt  }
0x4b: {  	_ =	shalt  }
0x4c: {  	_ =	shalt  }
0x4d: {  	_ =	shalt  }
0x4e: {  	_ =	shalt  }
0x4f: {  	_ =	shalt  }
0x50: {  	_ =	shalt  }
0x51: {  	_ =	shalt  }
0x52: {  	_ =	shalt  }
0x53: {  	_ =	shalt  }
0x54: {  	_ =	shalt  }
0x55: {  	_ =	shalt  }
0x56: {  	_ =	shalt  }
0x57: {  	_ =	shalt  }
0x58: {  	_ =	shalt  }
0x59: {  	_ =	shalt  }
0x5a: {  	_ =	shalt  }
0x5b: {  	_ =	shalt  }
0x5c: {  	_ =	shalt  }
0x5d: {  	_ =	shalt  }
0x5e: {  	_ =	shalt  }
0x5f: {  	_ =	shalt  }
0x60: {  	_ =	shalt  }
0x61: {  	_ =	shalt  }
0x62: {  	_ =	shalt  }
0x63: {  	_ =	shalt  }
0x64: {  	_ =	shalt  }
0x65: {  	_ =	shalt  }
0x66: {  	_ =	shalt  }
0x67: {  	_ =	shalt  }
0x68: {  	_ =	shalt  }
0x69: {  	_ =	shalt  }
0x6a: {  	_ =	shalt  }
0x6b: {  	_ =	shalt  }
0x6c: {  	_ =	shalt  }
0x6d: {  	_ =	shalt  }
0x6e: {  	_ =	shalt  }
0x6f: {  	_ =	shalt  }
0x70: {  	_ =	shalt  }
0x71: {  	_ =	shalt  }
0x72: {  	_ =	shalt  }
0x73: {  	_ =	shalt  }
0x74: {  	_ =	shalt  }
0x75: {  	_ =	shalt  }
0x76: {  	_ =	shalt  }
0x77: {  	_ =	shalt  }
0x78: {  	_ =	shalt  }
0x79: {  	_ =	shalt  }
0x7a: {  	_ =	shalt  }
0x7b: {  	_ =	shalt  }
0x7c: {  	_ =	shalt  }
0x7d: {  	_ =	shalt  }
0x7e: {  	_ =	shalt  }
0x7f: {  	_ =	shalt  }
0x80: {  	_ =	shalt  }
0x81: {  	_ =	shalt  }
0x82: {  	_ =	shalt  }
0x83: {  	_ =	shalt  }
0x84: {  	_ =	shalt  }
0x85: {  	_ =	shalt  }
0x86: {  	_ =	shalt  }
0x87: {  	_ =	shalt  }
.Lfunc_end0:
.L_simem_size_0:
called_computation_lowered:
.L_overlay_start_0:
0x88: {  	s2 =	sld [smem:$0x3FD9]  }
0x89: {  	s3 =	sld [smem:$0x3FFE];
	_ =	sdelay $0x1  }
0x8a: {  	s1 =	srdreg.scid  }
0x8b: {  	s0 =	sand.u32 $0x1, s1  }
0x8c: {  	s17 =	sshll.u32 s0, $0xA;
	s2 =	sadd.s32 s3, s2  }
0x8d: {  	s2 =	sadd.s32 s2, s17  }
0x8e: {  	[smem:$0x3FC4] =	sst s2  }
0x8f: {  	_ = 	snop  }
0x90: {  	s2 =	sld [smem:$0x3FC9]  }
0x91: {  	s18 =	sld [smem:$0x3FC8];
	(tm) =	ssettm $0x1  }
0x92: {  	s4 =	sld [smem:$0x3FFB];
	_ =	sdelay $0x3  }
0x93: {  	_ =	strace s4  }
0x94: {  	s4 =	sld [smem:$0x3FFC];
	_ =	sdelay $0x3  }
0x95: {  	_ =	strace s4  }
0x96: {  	s4 =	sld [smem:$0x3FFD];
	_ =	sdelay $0x3  }
0x97: {  	_ =	strace s4  }
0x98: {  	_ =	strace $0x8FFFFFFF  }
0x99: {  	s19 =	sld [smem:$0x3FDB];
	_ =	sdelay $0x1  }
0x9a: {  	s5 =	simm.s32 $_scs_section_size  }
0x9b: {  	s6 =	simm.s32 $_size__tile_overlayer_lowered;
	s7 =	simm.s32 $_tile_overlayer_lowered  }
0x9c: {  	s22 =	simm.s32 $0x1BFF;
	s21 =	sshll.u32 s7, $0x1;
	s4 =	sadd.s32 s5, s19  }
0x9d: {  	s8 =	simm.s32 $0x0;
	s20 =	sshll.u32 s6, $0x1;
	s6 =	sadd.s32 s21, s4  }
0x9e: {  	[timem:s8], [sflag:s22] =	dma.local [hbm:s6], s20  }
0x9f: {  	_ =	swait.ge [sflag:s22], s20  }
0xa0: {  	s5 =	ssub.s32 $0x0, s20;
	[sflag:s22] =	ssyncset.done $0x0  }
0xa1: {  	[sflag:s22] =	ssyncadd.s32 s5;
	_ =	sdelay $0x1  }
0xa2: {  	s23 =	simm.s32 $0x1B8B  }
0xa3: {  	_ =	swait.ge [sflag:s23], $0x1  }
0xa4: {  	[sflag:s23] =	ssyncset.done $0x0  }
0xa5: {  	s25 =	simm.s32 $0x1B8E;
	s24 =	sld [smem:$0x3FFE];
	[sflag:s23] =	ssyncadd.s32 $0xFFFFFFFF  }
0xa6: {  	s26 =	simm.s32 $execute0_lowered;
	[smem:$0x3FD2] =	sst s25  }
0xa7: {  	s6 =	sshll.u32 s26, $0x1;
	_ =	strace $0x80000046;
	[dreg:$0x1] =	wrdreg $0xFFFFFFFF  }
0xa8: {  	s28 =	simm.s32 $_size_execute0_lowered;
	s4 =	sadd.s32 s4, s6;
	[dreg:$0x0] =	wrdreg $0x0  }
0xa9: {  	s6 =	sshll.u32 s28, $0x1;
	[dreg:$0x2] =	wrdreg s4  }
0xaa: {  	[dreg:$0x3] =	wrdreg s6  }
0xab: {  	[dreg:$0x4] =	wrdreg $0xC0  }
0xac: {  	_ =	task [dreg:s8], $0x5FFFF  }
0xad: {  	[dreg:$0x1] =	wrdreg $0xFFFFFFFF  }
0xae: {  	[dreg:$0x0] =	wrdreg $0x60  }
0xaf: {  	[dreg:$0x2] =	wrdreg s2  }
0xb0: {  	[dreg:$0x3] =	wrdreg s18  }
0xb1: {  	[dreg:$0x4] =	wrdreg s24  }
0xb2: {  	[dreg:$0x5] =	wrdreg $0x8C000  }
0xb3: {  	[dreg:$0x6] =	wrdreg $0x9  }
0xb4: {  	_ =	task.clear_ibuf [dreg:s8], $0x7FFFF;
	_ =	strace $0x90000046  }
0xb5: {  	s29 =	simm.s32 $0x9;
	_ =	strace $0x80000048  }
0xb6: {  	_ =	swait.ge [sflag:s29], $0x1  }
0xb7: {  	[sflag:s29] =	ssyncadd.s32 $0xFFFFFFFF  }
0xb8: {  	_ =	strace $0x90000048  }
0xb9: {  	_ =	sfence  }
0xba: {  	s30 =	sld [smem:$0x0];
	_ =	sdelay $0x2  }
0xbb: {  	s31 =	sshll.u32 s1, $0xD;
	s1 =	sshrl.u32 s1, $0x2  }
0xbc: {  	s3 =	sand.u32 $0x4000, s31;
	s1 =	sadd.s32 s1, s30  }
0xbd: {  	s0 =	sor.u32 s3, s0;
	s1 =	sshll.u32 s1, $0x11  }
0xbe: {  	s0 =	sor.u32 s1, s0  }
0xbf: {  	s0 =	sadd.s32 $0x8F2B, s0  }
0xc0: {  	[sflag:s0] =	ssyncadd.remote.s32 $0x1  }
0xc1: {  	_ =	sfence.sel $0xFFFF  }
0xc2: {  	[dreg:$0x0] =	wrdreg $0xFFFFFFFF;
	(pc) =	sbr.abs _section_cstart, $3  }
0xc3: {  	[dreg:$0x1] =	wrdreg $0xFFFFFFFF  }
0xc4: {  	_ =	task.clear_ibuf [dreg:s8], $0x2FFFF;
	_ =	strace $0x9FFFFFFF  }
0xc5: {  	(tm) =	ssettm $0x7FFFFFFF  }
tec
execute0_lowered:
.L_overlay_start_1:
0x0: {  	(tag) =	ssettag $0x1  }
0x1: {  	s1 =	rddreg [dreg:$0x0]  }
0x2: {  	s2 =	rddreg [dreg:$0x1]  }
0x3: {  	s6 =	rddreg [dreg:$0x2]  }
0x4: {  	s3 =	rddreg [dreg:$0x3];
	s4 =	srdreg.scid;
	s5 =	simm.s32 $0x0  }
0x5: {  	s18 =	simm.s32 $0x3;
	s19 =	simm.s32 $0x80;
	s10 =	sand.u32 $0x1, s4  }
0x6: {  	s20 =	simm.s32 $0x100;
	s4 =	stileid.u32;
	s7 =	smul.u32 $0x140000, s10  }
0x7: {  	s21 =	simm.s32 $0x4C00;
	s22 =	simm.s32 $0x1;
	s8 =	smul.u32 $0x14000, s4  }
0x8: {  	s23 =	simm.s32 $0x2;
	[smem:$0x7FF] =	sst s5;
	s9 =	smul.u32 $0x50000, s4  }
0x9: {  	s24 =	simm.s32 $0x0;
	_ =	strace $0x80000047;
	s16 =	smul.u32 $0x4E00, s4  }
0xa: {  	s30 =	sshll.u32 s4, $0x1;
	s11 =	ssub.s32 $0x2, s10;
	s17 =	smul.u32 $0x2700, s10  }
0xb: {  	p0 =	sgt.u32 s4, $0x1;
	s12 =	sor.u32 s10, s30;
	s31 =	sshrl.u32 s11, $0x1  }
0xc: {  	s7 =	sadd.s32 s8, s7;
	s13 =	smul.u32 $0x9C0, s12;
	s9 =	sshrl.u32 s9, $0x2  }
0xd: {  	s15 =	ssub.s32 s11, s31;
	s12 =	sshll.u32 s12, $0x5;
	s16 =	sadd.s32 s17, s16  }
0xe: {  	s17 =	simm.s32 $0x4;
	s7 =	sshrl.u32 s7, $0x3;
	s12 =	sadd.s32 s12, s2  }
0xf: {  	s14 =	sadd.s32 s7, s6;
	s6 =	sadd.s32 s9, s3;
	s7 =	sadd.s32 s2, s13  }
0x10: {  	s12 =	sadd.s32 $0x13800, s12;
	s8 =	sadd.s32 $0x4000, s6;
	s9 =	sadd.s32 $0x8000, s6  }
0x11: {  	s10 =	sadd.s32 $0xC000, s6;
	s11 =	sadd.s32 $0x10000, s6;
	s13 =	sadd.s32 $0xA00, s14  }
0x12: {  	v0 =	vimm.f32 $0.0e+00;
	s14 =	smax.u32 s15, $0x1;
	s15 =	sadd.s32 $0x300, s16;
	s16 =	simm.s32 $0xC00  }
.LBB2_1:
0x13: {  	[tilespmem:s5], [sflag:$0x3] =	stream.linear.gather [hbm4b:s7+s5], $0x600, $0x38;
	[tilespmem:$0x1CC00] =	vst v63  }
0x14: {  	s25 =	simm.s32 $0x10;
	s26 =	sand.u32 $0x3FF0, s5  }
.LBB2_2:
0x15: {  	p1 =	sne.s32 s25, $0x3FF0;
	[tilespmem:s26+$0xC00] =	vst v0;
	s26 =	smov.u32 s25;
	s25 =	sadd.s32 $0x10, s25  }
.Ltmp0:
0x16: {  	(pc) =	sbr.rel @p1 .LBB2_2-.Ltmp0, $2  }
0x17: {  	_ =	sdelay $0x2  }
0x18: {  	s26 =	sand.u32 $0x3FF0, s26  }
0x19: {  	[tilespmem:s26+$0xC00] =	vst v0  }
0x1a: {  	[spmem:s6] =	stream.linear.scatter [tilespmem:s16], [sflag:$0x4], $0x4000, $0x38;
	[tilespmem:$0x1CC00] =	vst v63  }
0x1b: {  	_ =	swait.ge [sflag:s17], $0x4000  }
0x1c: {  	[sflag:s17] =	ssyncset.done $0x0  }
0x1d: {  	[sflag:s17] =	ssyncadd.s32 $0xFFFFC000  }
0x1e: {  	[spmem:s8] =	stream.linear.scatter [tilespmem:s16], [sflag:$0x4], $0x4000, $0x38;
	[tilespmem:$0x1CC00] =	vst v63  }
0x1f: {  	_ =	swait.ge [sflag:s17], $0x4000  }
0x20: {  	[sflag:s17] =	ssyncset.done $0x0  }
0x21: {  	[sflag:s17] =	ssyncadd.s32 $0xFFFFC000  }
0x22: {  	[spmem:s9] =	stream.linear.scatter [tilespmem:s16], [sflag:$0x4], $0x4000, $0x38;
	[tilespmem:$0x1CC00] =	vst v63  }
0x23: {  	_ =	swait.ge [sflag:s17], $0x4000  }
0x24: {  	[sflag:s17] =	ssyncset.done $0x0  }
0x25: {  	[sflag:s17] =	ssyncadd.s32 $0xFFFFC000  }
0x26: {  	[spmem:s10] =	stream.linear.scatter [tilespmem:s16], [sflag:$0x4], $0x4000, $0x38;
	[tilespmem:$0x1CC00] =	vst v63  }
0x27: {  	_ =	swait.ge [sflag:s17], $0x4000  }
0x28: {  	[sflag:s17] =	ssyncset.done $0x0  }
0x29: {  	[sflag:s17] =	ssyncadd.s32 $0xFFFFC000  }
0x2a: {  	[spmem:s11] =	stream.linear.scatter [tilespmem:s16], [sflag:$0x4], $0x4000, $0x38;
	[tilespmem:$0x1CC00] =	vst v63  }
0x2b: {  	_ =	swait.ge [sflag:s17], $0x4000  }
0x2c: {  	[sflag:s17] =	ssyncset.done $0x0  }
0x2d: {  	[sflag:s17] =	ssyncadd.s32 $0xFFFFC000  }
0x2e: {  	[bflag:$0x0] =	sbarrier.arrive $0xFFFF  }
0x2f: {  	_ =	swait.ge [sflag:s18], $0x600  }
0x30: {  	[sflag:s18] =	ssyncset.done $0x0  }
0x31: {  	s26 =	simm.s32 $0x0;
	[sflag:s18] =	ssyncadd.s32 $0xFFFFFA00  }
0x32: {  	[tilespmem:s16], [sflag:$0x1] =	stream.indirect.gather [hbm4b:s1+s19], $0x80, s26, s19, $0xb8;
	[tilespmem:$0x1CC00] =	vst v63  }
0x33: {  	s25 =	smov.u32 s15  }
0x34: {  	[tilespmem:s21], [sflag:$0x2] =	stream.indirect.gather [hbm4b:s1+s19], $0x80, s20, s19, $0xb8;
	[tilespmem:$0x1CC00] =	vst v63  }
.LBB2_4:
0x35: {  	s29 =	sand.u32 $0x1, s26  }
0x36: {  	p1 =	seq.s32 s26, $0xC;
	s28 =	sxor.u32 $0x1, s29  }
0x37: {  	s28 =	smul.u32 @!p1 $0x1800, s28  }
0x38: {  	s30 =	sshrl.u32 @!p1 s25, $0x2;
	s31 =	simm.s32 @!p1 $0x0  }
0x39: {  	s29 =	smul.u32 $0x1800, s29;
	s30 =	sadd.s32 @!p1 s2, s30;
	s28 =	sshrl.u32 @!p1 s28, $0x2  }
0x3a: {  	[tilespmem:s28], [sflag:$0x3] =	stream.linear.gather @!p1 [hbm4b:s30+s31], $0x600, $0x38;
	[tilespmem:$0x1CC00] =	vst v63  }
0x3b: {  	_ =	swait.ge [sflag:s22], $0x4000  }
0x3c: {  	s29 =	sshrl.u32 s29, $0x2;
	[sflag:s22] =	ssyncset.done $0x0  }
0x3d: {  	s31 =	sor.u32 $0x80, s29;
	[sflag:s22] =	ssyncadd.s32 $0xFFFFC000  }
0x3e: {  	[spmem:s3] =	stream.indirect.scatter.add.f32 [tilespmem:s16], [sflag:$0x4], $0x80, s31, s19, $0xb8;
	[tilespmem:$0x1CC00] =	vst v63  }
0x3f: {  	_ =	swait.ge [sflag:s17], $0x4000  }
0x40: {  	[sflag:s17] =	ssyncset.done $0x0  }
0x41: {  	s0 =	sadd.s32 $0x200, s29;
	[sflag:s17] =	ssyncadd.s32 $0xFFFFC000  }
0x42: {  	[tilespmem:s16], [sflag:$0x1] =	stream.indirect.gather [hbm4b:s1+s19], $0x80, s0, s19, $0xb8;
	[tilespmem:$0x1CC00] =	vst v63  }
0x43: {  	_ =	swait.ge [sflag:s23], $0x4000  }
0x44: {  	[sflag:s23] =	ssyncset.done $0x0  }
0x45: {  	s31 =	sor.u32 $0x180, s29;
	[sflag:s23] =	ssyncadd.s32 $0xFFFFC000  }
0x46: {  	[spmem:s3] =	stream.indirect.scatter.add.f32 [tilespmem:s21], [sflag:$0x4], $0x80, s31, s19, $0xb8;
	[tilespmem:$0x1CC00] =	vst v63  }
0x47: {  	_ =	swait.ge [sflag:s17], $0x4000  }
0x48: {  	[sflag:s17] =	ssyncset.done $0x0  }
0x49: {  	s0 =	sadd.s32 $0x300, s29;
	[sflag:s17] =	ssyncadd.s32 $0xFFFFC000  }
0x4a: {  	[tilespmem:s21], [sflag:$0x2] =	stream.indirect.gather [hbm4b:s1+s19], $0x80, s0, s19, $0xb8;
	[tilespmem:$0x1CC00] =	vst v63  }
0x4b: {  	_ =	swait.ge [sflag:s22], $0x4000  }
0x4c: {  	[sflag:s22] =	ssyncset.done $0x0  }
0x4d: {  	s31 =	sadd.s32 $0x280, s29;
	[sflag:s22] =	ssyncadd.s32 $0xFFFFC000  }
0x4e: {  	[spmem:s3] =	stream.indirect.scatter.add.f32 [tilespmem:s16], [sflag:$0x4], $0x80, s31, s19, $0xb8;
	[tilespmem:$0x1CC00] =	vst v63  }
0x4f: {  	_ =	swait.ge [sflag:s17], $0x4000  }
0x50: {  	[sflag:s17] =	ssyncset.done $0x0  }
0x51: {  	s0 =	sadd.s32 $0x400, s29;
	[sflag:s17] =	ssyncadd.s32 $0xFFFFC000  }
0x52: {  	[tilespmem:s16], [sflag:$0x1] =	stream.indirect.gather [hbm4b:s1+s19], $0x80, s0, s19, $0xb8;
	[tilespmem:$0x1CC00] =	vst v63  }
0x53: {  	_ =	swait.ge [sflag:s23], $0x4000  }
0x54: {  	[sflag:s23] =	ssyncset.done $0x0  }
0x55: {  	s31 =	sadd.s32 $0x380, s29;
	[sflag:s23] =	ssyncadd.s32 $0xFFFFC000  }
0x56: {  	[spmem:s3] =	stream.indirect.scatter.add.f32 [tilespmem:s21], [sflag:$0x4], $0x80, s31, s19, $0xb8;
	[tilespmem:$0x1CC00] =	vst v63  }
0x57: {  	_ =	swait.ge [sflag:s17], $0x4000  }
0x58: {  	[sflag:s17] =	ssyncset.done $0x0  }
0x59: {  	s30 =	simm.s32 @p1 $0x1;
	s0 =	sadd.s32 $0x500, s29;
	[sflag:s17] =	ssyncadd.s32 $0xFFFFC000  }
0x5a: {  	[tilespmem:s21], [sflag:$0x2] =	stream.indirect.gather [hbm4b:s1+s19], $0x80, s0, s19, $0xb8;
	[tilespmem:$0x1CC00] =	vst v63  }
0x5b: {  	_ =	swait.ge @p1 [sflag:s30], $0x4000  }
0x5c: {  	s31 =	simm.s32 @p1 $0x80;
	[sflag:s30] =	ssyncset.done @p1 $0x0  }
0x5d: {  	s0 =	simm.s32 @p1 $0xC00;
	[sflag:s30] =	ssyncadd.s32 @p1 $0xFFFFC000;
	s30 =	sadd.s32 @p1 $0x480, s29  }
0x5e: {  	[spmem:s3] =	stream.indirect.scatter.add.f32 @p1 [tilespmem:s0], [sflag:$0x4], $0x80, s30, s31, $0xb8;
	[tilespmem:$0x1CC00] =	vst v63  }
0x5f: {  	s0 =	simm.s32 @p1 $0x4  }
0x60: {  	_ =	swait.ge @p1 [sflag:s0], $0x4000  }
0x61: {  	[sflag:s0] =	ssyncset.done @p1 $0x0  }
0x62: {  	[sflag:s0] =	ssyncadd.s32 @p1 $0xFFFFC000;
	s0 =	simm.s32 @!p1 $0x3  }
0x63: {  	_ =	swait.ge @!p1 [sflag:s0], $0x600  }
0x64: {  	[sflag:s0] =	ssyncset.done @!p1 $0x0  }
0x65: {  	[sflag:s0] =	ssyncadd.s32 @!p1 $0xFFFFFA00;
	s0 =	simm.s32 @!p1 $0x1  }
0x66: {  	_ =	swait.ge @!p1 [sflag:s0], $0x4000  }
0x67: {  	s30 =	simm.s32 @!p1 $0x80;
	[sflag:s0] =	ssyncset.done @!p1 $0x0  }
0x68: {  	s31 =	simm.s32 @!p1 $0xC00;
	[sflag:s0] =	ssyncadd.s32 @!p1 $0xFFFFC000;
	s0 =	sadd.s32 @!p1 $0x480, s29  }
0x69: {  	[spmem:s3] =	stream.indirect.scatter.add.f32 @!p1 [tilespmem:s31], [sflag:$0x4], $0x80, s0, s30, $0xb8;
	[tilespmem:$0x1CC00] =	vst v63  }
0x6a: {  	s0 =	simm.s32 @!p1 $0x4  }
0x6b: {  	_ =	swait.ge @!p1 [sflag:s0], $0x4000  }
0x6c: {  	[sflag:s0] =	ssyncset.done @!p1 $0x0  }
0x6d: {  	[sflag:s0] =	ssyncadd.s32 @!p1 $0xFFFFC000  }
0x6e: {  	[tilespmem:s31], [sflag:$0x1] =	stream.indirect.gather @!p1 [hbm4b:s1+s30], $0x80, s28, s30, $0xb8;
	[tilespmem:$0x1CC00] =	vst v63  }
0x6f: {  	s26 =	sadd.s32 $0x1, s26;
	_ =	swait.ge [sflag:s23], $0x4000  }
0x70: {  	p2 =	sne.s32 @!p1 s26, $0xD;
	[sflag:s23] =	ssyncset.done $0x0  }
0x71: {  	p2 =	por p1, !p2;
	s31 =	sadd.s32 $0x580, s29;
	[sflag:s23] =	ssyncadd.s32 $0xFFFFC000  }
0x72: {  	[spmem:s3] =	stream.indirect.scatter.add.f32 [tilespmem:s21], [sflag:$0x4], $0x80, s31, s19, $0xb8;
	[tilespmem:$0x1CC00] =	vst v63  }
.Ltmp1:
0x73: {  	_ = 	snop;
	(pc) =	sbr.rel @!p2 .LBB2_4-.Ltmp1, $4  }
0x74: {  	_ =	swait.ge [sflag:s17], $0x4000  }
0x75: {  	s25 =	sadd.s32 @!p1 $0x300, s25;
	[sflag:s17] =	ssyncset.done $0x0  }
0x76: {  	s0 =	sor.u32 @!p1 $0x100, s28;
	s28 =	simm.s32 @!p1 $0x4C00;
	[sflag:s17] =	ssyncadd.s32 $0xFFFFC000  }
0x77: {  	[tilespmem:s28], [sflag:$0x2] =	stream.indirect.gather @!p1 [hbm4b:s1+s30], $0x80, s0, s30, $0xb8;
	[tilespmem:$0x1CC00] =	vst v63  }
0x78: {  	s0 =	simm.s32 @!p0 $0x0;
	s25 =	simm.s32 @!p0 $0x4  }
0x79: {  	[tilespmem:s0], [sflag:$0x4] =	stream.linear.gather @!p0 [hbm4b:s12+s0], $0x100, $0x38;
	[tilespmem:$0x1CC00] =	vst v63  }
0x7a: {  	_ =	swait.ge @!p0 [sflag:s25], $0x100  }
0x7b: {  	[sflag:s25] =	ssyncset.done @!p0 $0x0  }
0x7c: {  	s26 =	simm.s32 @!p0 $0x80;
	s28 =	simm.s32 @!p0 $0xC00;
	[sflag:s25] =	ssyncadd.s32 @!p0 $0xFFFFFF00  }
0x7d: {  	[tilespmem:s28], [sflag:$0x1] =	stream.indirect.gather @!p0 [hbm4b:s1+s26], $0x80, s0, s26, $0xb8;
	[tilespmem:$0x1CC00] =	vst v63  }
0x7e: {  	s0 =	simm.s32 @!p0 $0x1  }
0x7f: {  	_ =	swait.ge @!p0 [sflag:s0], $0x4000  }
0x80: {  	[sflag:s0] =	ssyncset.done @!p0 $0x0  }
0x81: {  	[sflag:s0] =	ssyncadd.s32 @!p0 $0xFFFFC000  }
0x82: {  	[spmem:s3] =	stream.indirect.scatter.add.f32 @!p0 [tilespmem:s28], [sflag:$0x4], $0x80, s26, s26, $0xb8;
	[tilespmem:$0x1CC00] =	vst v63  }
0x83: {  	_ =	swait.ge @!p0 [sflag:s25], $0x4000  }
0x84: {  	s30 =	sshll.u32 s4, $0x6;
	s24 =	sadd.s32 $0x1, s24;
	[sflag:s25] =	ssyncset.done @!p0 $0x0  }
0x85: {  	s31 =	sshrl.u32 s6, $0x3;
	p1 =	sne.s32 s24, s14;
	[sflag:s25] =	ssyncadd.s32 @!p0 $0xFFFFC000  }
.Ltmp2:
0x86: {  	s0 =	sor.u32 $0x1C04, s30;
	[bflag:$0x0] =	sbarrier.arrive $0xFFFF;
	(pc) =	sbr.rel @p1 .LBB2_1-.Ltmp2, $4  }
0x87: {  	[hbm:s13], [sflag:s0] =	dma.local [spmem:s31], $0x2800  }
0x88: {  	_ =	swait.ge [sflag:s17], $0x2800  }
0x89: {  	[sflag:s17] =	ssyncset.done $0x0  }
0x8a: {  	[sflag:s17] =	ssyncadd.s32 $0xFFFFD800  }
0x8b: {  	_ =	sfence.sel $0x180000  }
0x8c: {  	[bflag:$0x0] =	sbarrier.arrive $0xFFFF  }
0x8d: {  	_ =	strace $0x90000047  }
0x8e: {  	[bflag:$0x2] =	sbarrier.arrive $0xFFFF  }
0x8f: {  	p0 =	sne.s32 s4, $0x0;
	s0 =	rddreg [dreg:$0x4]  }
0x90: {  	s0 =	sadd.s32 @!p0 $0x100000, s0  }
0x91: {  	[sflag:s0] =	ssyncadd.tile.s32 @!p0 $0x1;
	_ =	shalt  }
.Lfunc_end2:
_tile_overlayer_lowered:
.L_overlay_start_2:
0x92: {  	(tag) =	ssettag $0x2  }
0x93: {  	s0 =	rddreg [dreg:$0x0];
	s2 =	stileid.u32  }
0x94: {  	s1 =	rddreg [dreg:$0x1];
	p0 =	sne.s32 s2, $0x0  }
0x95: {  	s3 =	rddreg [dreg:$0x2];
	[bflag:$0x3] =	sbarrier.arrive $0xFFFF;
	s2 =	simm.s32 @!p0 $0x1C04  }
0x96: {  	[timem:s3], [sflag:s2] =	dma.local @!p0 [hbm:s0], s1  }
0x97: {  	s0 =	simm.s32 @!p0 $0x4  }
0x98: {  	_ =	swait.ge @!p0 [sflag:s0], s1  }
0x99: {  	s1 =	ssub.s32 @!p0 $0x0, s1;
	[sflag:s0] =	ssyncset.done @!p0 $0x0  }
0x9a: {  	[sflag:s0] =	ssyncadd.s32 @!p0 s1  }
0x9b: {  	[bflag:$0x3] =	sbarrier.arrive $0xFFFF  }
0x9c: {  	_ =	shalt  }

</sc_bundles>
